<compile_context>
chip_gen: v7x
topology: tpu7x:2x2x1
jax: 0.10.2.dev20260603
libtpu: 0.0.44.dev20260713+nightly
codegen_flags: <defaults>
</compile_context>

<pallas_src>
import jax
import jax.numpy as jnp
from jax import lax
from jax.experimental import pallas as pl
from jax.experimental.pallas import tpu as pltpu

N = 100000
E = 3200000
B = 64
S = 4
NRAD = 4
CUTOFF = 5.0
SMEAR = 0.3

R = 2000
STEPS = N // R


def _node_body(dens, mpb, numb, batb,
               psW0, psb0, psW1, psb1, psWo, psbo,
               mpW0, mpb0, mpW1, mpb1, mpWo, mpbo,
               cwT, out, psbuf):
    i = pl.program_id(0)
    d = dens[:]
    for k in range(16):
        psbuf[:, k * 16:(k + 1) * 16] = d * d[:, k:k + 1]
    ps = psbuf[:]
    nb = numb[:]
    oh = (nb == lax.broadcasted_iota(jnp.int32, (R, S), 1)).astype(jnp.float32)

    def species_linear(h, W, b):
        acc = jnp.dot(oh, b, preferred_element_type=jnp.float32)
        for s in range(S):
            acc = acc + oh[:, s:s + 1] * jnp.dot(
                h, W[s], preferred_element_type=jnp.float32)
        return acc

    def species_out(h, Wo, bo):
        acc = jnp.dot(oh, bo, preferred_element_type=jnp.float32)
        for s in range(S):
            acc = acc + oh[:, s:s + 1] * jnp.sum(
                h * Wo[s][None, :], axis=-1, keepdims=True)
        return acc

    def ln_relu(h):
        m = jnp.mean(h, axis=-1, keepdims=True)
        v = jnp.mean((h - m) * (h - m), axis=-1, keepdims=True)
        return jnp.maximum((h - m) * lax.rsqrt(v + 1e-5), 0.0)

    h = ln_relu(species_linear(ps, psW0[:], psb0[:]))
    h = ln_relu(species_linear(h, psW1[:], psb1[:]))
    e = species_out(h, psWo[:], psbo[:])
    h = ln_relu(species_linear(mpb[:], mpW0[:], mpb0[:]))
    h = ln_relu(species_linear(h, mpW1[:], mpb1[:]))
    e = e + species_out(h, mpWo[:], mpbo[:])
    e = e + jnp.dot(oh, cwT[:], preferred_element_type=jnp.float32)

    bb = batb[:]
    scat = (bb == lax.broadcasted_iota(jnp.int32, (R, B), 1)).astype(jnp.float32)
    blk = lax.dot_general(scat, e, (((0,), (0,)), ((), ())),
                          preferred_element_type=jnp.float32)

    @pl.when(i == 0)
    def _():
        out[:] = blk

    @pl.when(i > 0)
    def _():
        out[:] = out[:] + blk


def _full_spec(shape):
    nd = len(shape)
    return pl.BlockSpec(shape, lambda i, _nd=nd: (0,) * _nd)


def _node_call(dens, mp, numb, batb, ws):
    in_specs = [
        pl.BlockSpec((R, 16), lambda i: (i, 0)),
        pl.BlockSpec((R, S), lambda i: (i, 0)),
        pl.BlockSpec((R, 1), lambda i: (i, 0)),
        pl.BlockSpec((R, 1), lambda i: (i, 0)),
    ] + [_full_spec(w.shape) for w in ws]
    return pl.pallas_call(
        _node_body,
        grid=(STEPS,),
        in_specs=in_specs,
        out_specs=pl.BlockSpec((B, 1), lambda i: (0, 0)),
        out_shape=jax.ShapeDtypeStruct((B, 1), jnp.float32),
        scratch_shapes=[pltpu.VMEM((R, 256), jnp.float32)],
    )(dens, mp, numb, batb, *ws)


def kernel(positions, cells, numbers, edge_indices, edge_offsets, batch, params):
    src = edge_indices[0]
    dst = edge_indices[1]
    disp = positions[dst] - positions[src]
    dd = jnp.sqrt(jnp.sum(disp * disp, -1) + 1e-12)
    mu = jnp.linspace(0.0, CUTOFF, NRAD)
    sig = CUTOFF / NRAD
    fc = 0.5 * (jnp.cos(jnp.pi * jnp.clip(dd / CUTOFF, 0.0, 1.0)) + 1.0)
    g = jnp.exp(-((dd[:, None] - mu[None, :]) ** 2) / (2 * sig * sig)) * fc[:, None]
    pot = jax.scipy.special.erf(dd / (jnp.sqrt(2.0) * SMEAR)) / dd * fc
    key = src * S + numbers[dst]
    vals = jnp.concatenate([g, pot[:, None]], axis=1)
    acc = jax.ops.segment_sum(vals, key, num_segments=N * S)
    acc = acc.reshape(N, S, NRAD + 1)
    dens = acc[:, :, :NRAD].reshape(N, S * NRAD)
    mp = acc[:, :, NRAD]

    ws = [params["ps_W0"], params["ps_b0"], params["ps_W1"], params["ps_b1"],
          params["ps_Wo"].reshape(S, -1), params["ps_bo"],
          params["mp_W0"], params["mp_b0"], params["mp_W1"], params["mp_b1"],
          params["mp_Wo"].reshape(S, -1), params["mp_bo"],
          params["cw"].T]
    return _node_call(dens, mp, numbers[:, None], batch[:, None], ws)

# --- scband reference (transcript-rebuilt; emitter-appended) ---
"""Pipeline reference for scband-bppslode-model-18081812316536 (READ-ONLY COPY).

The authoritative reference and input builder live on the scoring server;
editing this copy changes nothing except your own understanding.
"""

import jax, jax.numpy as jnp
import numpy as np

N = 100000
E = 3200000
B = 64
S = 4
NRAD = 4
CUTOFF = 5.0
SMEAR = 0.3
FPS = (S * NRAD) ** 2
H_PS = [256, 128]
H_MP = [256, 128]


def _make_params(key):
    ks = jax.random.split(key, 24)
    p = {}
    def w(k, shape):
        return jax.random.normal(k, shape, dtype=jnp.float32) * 0.05
    i = 0
    for pref, sizes in (("ps", [FPS] + H_PS), ("mp", [S] + H_MP)):
        for li in range(1, len(sizes)):
            p[f"{pref}_W{li-1}"] = w(ks[i], (S, sizes[li - 1], sizes[li])); i += 1
            p[f"{pref}_b{li-1}"] = w(ks[i], (S, sizes[li])); i += 1
            p[f"{pref}_g{li-1}"] = jnp.ones((sizes[li],), jnp.float32)
            p[f"{pref}_be{li-1}"] = jnp.zeros((sizes[li],), jnp.float32)
        p[f"{pref}_Wo"] = w(ks[i], (S, sizes[-1], 1)); i += 1
        p[f"{pref}_bo"] = w(ks[i], (S, 1)); i += 1
    p["cw"] = w(ks[i], (1, S))
    return p


def _species_linear(h, W, b, oh):
    # per-center-type LinearMap: weight selected by species one-hot
    out = jnp.einsum('ns,so->no', oh, b)
    for s in range(W.shape[0]):
        out = out + oh[:, s:s + 1] * (h @ W[s])
    return out


def _layernorm(h, g, b):
    m = jnp.mean(h, -1, keepdims=True)
    v = jnp.var(h, -1, keepdims=True)
    return (h - m) / jnp.sqrt(v + 1e-5) * g + b


def _mlp(pref, h, oh, p, nlay):
    for li in range(nlay):
        h = _species_linear(h, p[f"{pref}_W{li}"], p[f"{pref}_b{li}"], oh)
        h = _layernorm(h, p[f"{pref}_g{li}"], p[f"{pref}_be{li}"])
        h = jax.nn.relu(h)
    return _species_linear(h, p[f"{pref}_Wo"], p[f"{pref}_bo"], oh)


def _forward(positions, cells, edge_offsets, params, numbers, edge_indices, batch):
    src = edge_indices[0]
    dst = edge_indices[1]
    cell_e = cells[batch[src]]
    disp = positions[dst] - positions[src] + jnp.einsum('ei,eij->ej', edge_offsets, cell_e)
    d = jnp.sqrt(jnp.sum(disp * disp, -1) + 1e-12)
    mu = jnp.linspace(0.0, CUTOFF, NRAD)
    sigma = CUTOFF / NRAD
    fc = 0.5 * (jnp.cos(jnp.pi * jnp.clip(d / CUTOFF, 0.0, 1.0)) + 1.0)
    g = jnp.exp(-((d[:, None] - mu[None, :]) ** 2) / (2.0 * sigma * sigma)) * fc[:, None]
    oh_n = jax.nn.one_hot(numbers[dst], S, dtype=positions.dtype)
    # species-resolved radial density (gather over edges, scatter-add to centers)
    edge_feat = (oh_n[:, :, None] * g[:, None, :]).reshape(-1, S * NRAD)
    dens = jax.ops.segment_sum(edge_feat, src, num_segments=N)
    # power spectrum: contraction of density with itself
    ps = (dens[:, :, None] * dens[:, None, :]).reshape(N, FPS)
    # LODE mesh-potential-like features: smeared Coulomb per species channel
    pot = jax.scipy.special.erf(d / (jnp.sqrt(2.0) * SMEAR)) / d * fc
    mp = jax.ops.segment_sum(pot[:, None] * oh_n, src, num_segments=N)
    oh_c = jax.nn.one_hot(numbers, S, dtype=positions.dtype)
    out_ps = _mlp("ps", ps, oh_c, params, len(H_PS))
    out_mp = _mlp("mp", mp, oh_c, params, len(H_MP))
    e_ps = jax.ops.segment_sum(out_ps, batch, num_segments=B)
    e_mp = jax.ops.segment_sum(out_mp, batch, num_segments=B)
    comp = jax.ops.segment_sum(oh_c, batch, num_segments=B)
    return e_ps + e_mp + comp @ params["cw"].T


def setup_inputs(seed: int = 0) -> dict:
    key = jax.random.key(seed)
    ks = jax.random.split(key, 8)
    positions = jax.random.normal(ks[0], (N, 3), dtype=jnp.float32)
    cells = jax.random.normal(ks[1], (B, 3, 3), dtype=jnp.float32)
    numbers = jax.random.randint(ks[2], (N,), 0, S, dtype=jnp.int32)
    edge_indices = jax.random.randint(ks[3], (2, E), 0, N, dtype=jnp.int32)
    edge_offsets = jnp.zeros((E, 3), jnp.float32)
    batch = jnp.sort(jax.random.randint(ks[4], (N,), 0, B, dtype=jnp.int32))
    params = _make_params(ks[5])
    return {"positions": positions, "cells": cells, "numbers": numbers,
            "edge_indices": edge_indices, "edge_offsets": edge_offsets,
            "batch": batch, "params": params}


def reference(positions, cells, numbers, edge_indices, edge_offsets, batch, params):
    return _forward(positions, cells, edge_offsets, params, numbers, edge_indices, batch)

if __name__ == "__main__":
    import jax
    _d = setup_inputs()
    print(jax.jit(kernel)(*tuple(_d.values())))

</pallas_src>

<mosaic_0001>
module attributes {stable_mosaic.version = 14 : i64} {
  func.func @_node_body(%arg0: i32, %arg1: memref<2000x16xf32, #tpu.memory_space<vmem>>, %arg2: memref<2000x4xf32, #tpu.memory_space<vmem>>, %arg3: memref<2000x1xi32, #tpu.memory_space<vmem>>, %arg4: memref<2000x1xi32, #tpu.memory_space<vmem>>, %arg5: memref<4x256x256xf32, #tpu.memory_space<vmem>>, %arg6: memref<4x256xf32, #tpu.memory_space<vmem>>, %arg7: memref<4x256x128xf32, #tpu.memory_space<vmem>>, %arg8: memref<4x128xf32, #tpu.memory_space<vmem>>, %arg9: memref<4x128xf32, #tpu.memory_space<vmem>>, %arg10: memref<4x1xf32, #tpu.memory_space<vmem>>, %arg11: memref<4x4x256xf32, #tpu.memory_space<vmem>>, %arg12: memref<4x256xf32, #tpu.memory_space<vmem>>, %arg13: memref<4x256x128xf32, #tpu.memory_space<vmem>>, %arg14: memref<4x128xf32, #tpu.memory_space<vmem>>, %arg15: memref<4x128xf32, #tpu.memory_space<vmem>>, %arg16: memref<4x1xf32, #tpu.memory_space<vmem>>, %arg17: memref<4x1xf32, #tpu.memory_space<vmem>>, %arg18: memref<64x1xf32, #tpu.memory_space<vmem>>, %arg19: memref<2000x256xf32, #tpu.memory_space<vmem>>) attributes {dimension_semantics = [#tpu.dimension_semantics<arbitrary>], iteration_bounds = array<i64: 50>, scalar_prefetch = 0 : i64, scratch_operands = 1 : i64, tpu.core_type = #tpu.core_type<tc>, window_params = [{transform_indices = @transform_0, window_bounds = array<i64: 2000, 16>}, {transform_indices = @transform_1, window_bounds = array<i64: 2000, 4>}, {transform_indices = @transform_2, window_bounds = array<i64: 2000, 1>}, {transform_indices = @transform_3, window_bounds = array<i64: 2000, 1>}, {pipeline_mode = #tpu.pipeline_mode<synchronous>, transform_indices = @transform_4, window_bounds = array<i64: 4, 256, 256>}, {pipeline_mode = #tpu.pipeline_mode<synchronous>, transform_indices = @transform_5, window_bounds = array<i64: 4, 256>}, {pipeline_mode = #tpu.pipeline_mode<synchronous>, transform_indices = @transform_6, window_bounds = array<i64: 4, 256, 128>}, {pipeline_mode = #tpu.pipeline_mode<synchronous>, transform_indices = @transform_7, window_bounds = array<i64: 4, 128>}, {pipeline_mode = #tpu.pipeline_mode<synchronous>, transform_indices = @transform_8, window_bounds = array<i64: 4, 128>}, {pipeline_mode = #tpu.pipeline_mode<synchronous>, transform_indices = @transform_9, window_bounds = array<i64: 4, 1>}, {pipeline_mode = #tpu.pipeline_mode<synchronous>, transform_indices = @transform_10, window_bounds = array<i64: 4, 4, 256>}, {pipeline_mode = #tpu.pipeline_mode<synchronous>, transform_indices = @transform_11, window_bounds = array<i64: 4, 256>}, {pipeline_mode = #tpu.pipeline_mode<synchronous>, transform_indices = @transform_12, window_bounds = array<i64: 4, 256, 128>}, {pipeline_mode = #tpu.pipeline_mode<synchronous>, transform_indices = @transform_13, window_bounds = array<i64: 4, 128>}, {pipeline_mode = #tpu.pipeline_mode<synchronous>, transform_indices = @transform_14, window_bounds = array<i64: 4, 128>}, {pipeline_mode = #tpu.pipeline_mode<synchronous>, transform_indices = @transform_15, window_bounds = array<i64: 4, 1>}, {pipeline_mode = #tpu.pipeline_mode<synchronous>, transform_indices = @transform_16, window_bounds = array<i64: 4, 1>}, {pipeline_mode = #tpu.pipeline_mode<synchronous>, transform_indices = @transform_17, window_bounds = array<i64: 64, 1>}]} {
    %get3A = arith.constant 0 : index
    %get3A_0 = arith.constant 0 : index
    %get3A_1 = vector.load %arg1[%get3A, %get3A_0] : memref<2000x16xf32, #tpu.memory_space<vmem>>, vector<2000x16xf32>
    %slice3A = vector.extract_strided_slice %get3A_1 {offsets = [0, 0], sizes = [2000, 1], strides = [1, 1]} : vector<2000x16xf32> to vector<2000x1xf32>
    %mul3A = vector.broadcast %slice3A : vector<2000x1xf32> to vector<2000x16xf32>
    %mul3A_2 = arith.mulf %get3A_1, %mul3A : vector<2000x16xf32>
    %swap3A = arith.constant 0 : index
    %swap3A_3 = arith.constant 0 : index
    %swap3A_4 = vector.load %arg19[%swap3A, %swap3A_3] : memref<2000x256xf32, #tpu.memory_space<vmem>>, vector<2000x16xf32>
    tpu.vector_store %arg19[%swap3A, %swap3A_3], %mul3A_2 {strides = array<i32>} : memref<2000x256xf32, #tpu.memory_space<vmem>>, vector<2000x16xf32>,
    %slice3A_5 = vector.extract_strided_slice %get3A_1 {offsets = [0, 1], sizes = [2000, 1], strides = [1, 1]} : vector<2000x16xf32> to vector<2000x1xf32>
    %mul3A_6 = vector.broadcast %slice3A_5 : vector<2000x1xf32> to vector<2000x16xf32>
    %mul3A_7 = arith.mulf %get3A_1, %mul3A_6 : vector<2000x16xf32>
    %swap3A_8 = arith.constant 0 : index
    %swap3A_9 = arith.constant 16 : index
    %swap3A_10 = vector.load %arg19[%swap3A_8, %swap3A_9] : memref<2000x256xf32, #tpu.memory_space<vmem>>, vector<2000x16xf32>
    tpu.vector_store %arg19[%swap3A_8, %swap3A_9], %mul3A_7 {strides = array<i32>} : memref<2000x256xf32, #tpu.memory_space<vmem>>, vector<2000x16xf32>,
    %slice3A_11 = vector.extract_strided_slice %get3A_1 {offsets = [0, 2], sizes = [2000, 1], strides = [1, 1]} : vector<2000x16xf32> to vector<2000x1xf32>
    %mul3A_12 = vector.broadcast %slice3A_11 : vector<2000x1xf32> to vector<2000x16xf32>
    %mul3A_13 = arith.mulf %get3A_1, %mul3A_12 : vector<2000x16xf32>
    %swap3A_14 = arith.constant 0 : index
    %swap3A_15 = arith.constant 32 : index
    %swap3A_16 = vector.load %arg19[%swap3A_14, %swap3A_15] : memref<2000x256xf32, #tpu.memory_space<vmem>>, vector<2000x16xf32>
    tpu.vector_store %arg19[%swap3A_14, %swap3A_15], %mul3A_13 {strides = array<i32>} : memref<2000x256xf32, #tpu.memory_space<vmem>>, vector<2000x16xf32>,
    %slice3A_17 = vector.extract_strided_slice %get3A_1 {offsets = [0, 3], sizes = [2000, 1], strides = [1, 1]} : vector<2000x16xf32> to vector<2000x1xf32>
    %mul3A_18 = vector.broadcast %slice3A_17 : vector<2000x1xf32> to vector<2000x16xf32>
    %mul3A_19 = arith.mulf %get3A_1, %mul3A_18 : vector<2000x16xf32>
    %swap3A_20 = arith.constant 0 : index
    %swap3A_21 = arith.constant 48 : index
    %swap3A_22 = vector.load %arg19[%swap3A_20, %swap3A_21] : memref<2000x256xf32, #tpu.memory_space<vmem>>, vector<2000x16xf32>
    tpu.vector_store %arg19[%swap3A_20, %swap3A_21], %mul3A_19 {strides = array<i32>} : memref<2000x256xf32, #tpu.memory_space<vmem>>, vector<2000x16xf32>,
    %slice3A_23 = vector.extract_strided_slice %get3A_1 {offsets = [0, 4], sizes = [2000, 1], strides = [1, 1]} : vector<2000x16xf32> to vector<2000x1xf32>
    %mul3A_24 = vector.broadcast %slice3A_23 : vector<2000x1xf32> to vector<2000x16xf32>
    %mul3A_25 = arith.mulf %get3A_1, %mul3A_24 : vector<2000x16xf32>
    %swap3A_26 = arith.constant 0 : index
    %swap3A_27 = arith.constant 64 : index
    %swap3A_28 = vector.load %arg19[%swap3A_26, %swap3A_27] : memref<2000x256xf32, #tpu.memory_space<vmem>>, vector<2000x16xf32>
    tpu.vector_store %arg19[%swap3A_26, %swap3A_27], %mul3A_25 {strides = array<i32>} : memref<2000x256xf32, #tpu.memory_space<vmem>>, vector<2000x16xf32>,
    %slice3A_29 = vector.extract_strided_slice %get3A_1 {offsets = [0, 5], sizes = [2000, 1], strides = [1, 1]} : vector<2000x16xf32> to vector<2000x1xf32>
    %mul3A_30 = vector.broadcast %slice3A_29 : vector<2000x1xf32> to vector<2000x16xf32>
    %mul3A_31 = arith.mulf %get3A_1, %mul3A_30 : vector<2000x16xf32>
    %swap3A_32 = arith.constant 0 : index
    %swap3A_33 = arith.constant 80 : index
    %swap3A_34 = vector.load %arg19[%swap3A_32, %swap3A_33] : memref<2000x256xf32, #tpu.memory_space<vmem>>, vector<2000x16xf32>
    tpu.vector_store %arg19[%swap3A_32, %swap3A_33], %mul3A_31 {strides = array<i32>} : memref<2000x256xf32, #tpu.memory_space<vmem>>, vector<2000x16xf32>,
    %slice3A_35 = vector.extract_strided_slice %get3A_1 {offsets = [0, 6], sizes = [2000, 1], strides = [1, 1]} : vector<2000x16xf32> to vector<2000x1xf32>
    %mul3A_36 = vector.broadcast %slice3A_35 : vector<2000x1xf32> to vector<2000x16xf32>
    %mul3A_37 = arith.mulf %get3A_1, %mul3A_36 : vector<2000x16xf32>
    %swap3A_38 = arith.constant 0 : index
    %swap3A_39 = arith.constant 96 : index
    %swap3A_40 = vector.load %arg19[%swap3A_38, %swap3A_39] : memref<2000x256xf32, #tpu.memory_space<vmem>>, vector<2000x16xf32>
    tpu.vector_store %arg19[%swap3A_38, %swap3A_39], %mul3A_37 {strides = array<i32>} : memref<2000x256xf32, #tpu.memory_space<vmem>>, vector<2000x16xf32>,
    %slice3A_41 = vector.extract_strided_slice %get3A_1 {offsets = [0, 7], sizes = [2000, 1], strides = [1, 1]} : vector<2000x16xf32> to vector<2000x1xf32>
    %mul3A_42 = vector.broadcast %slice3A_41 : vector<2000x1xf32> to vector<2000x16xf32>
    %mul3A_43 = arith.mulf %get3A_1, %mul3A_42 : vector<2000x16xf32>
    %swap3A_44 = arith.constant 0 : index
    %swap3A_45 = arith.constant 112 : index
    %swap3A_46 = vector.load %arg19[%swap3A_44, %swap3A_45] : memref<2000x256xf32, #tpu.memory_space<vmem>>, vector<2000x16xf32>
    tpu.vector_store %arg19[%swap3A_44, %swap3A_45], %mul3A_43 {strides = array<i32>} : memref<2000x256xf32, #tpu.memory_space<vmem>>, vector<2000x16xf32>,
    %slice3A_47 = vector.extract_strided_slice %get3A_1 {offsets = [0, 8], sizes = [2000, 1], strides = [1, 1]} : vector<2000x16xf32> to vector<2000x1xf32>
    %mul3A_48 = vector.broadcast %slice3A_47 : vector<2000x1xf32> to vector<2000x16xf32>
    %mul3A_49 = arith.mulf %get3A_1, %mul3A_48 : vector<2000x16xf32>
    %swap3A_50 = arith.constant 0 : index
    %swap3A_51 = arith.constant 128 : index
    %swap3A_52 = vector.load %arg19[%swap3A_50, %swap3A_51] : memref<2000x256xf32, #tpu.memory_space<vmem>>, vector<2000x16xf32>
    tpu.vector_store %arg19[%swap3A_50, %swap3A_51], %mul3A_49 {strides = array<i32>} : memref<2000x256xf32, #tpu.memory_space<vmem>>, vector<2000x16xf32>,
    %slice3A_53 = vector.extract_strided_slice %get3A_1 {offsets = [0, 9], sizes = [2000, 1], strides = [1, 1]} : vector<2000x16xf32> to vector<2000x1xf32>
    %mul3A_54 = vector.broadcast %slice3A_53 : vector<2000x1xf32> to vector<2000x16xf32>
    %mul3A_55 = arith.mulf %get3A_1, %mul3A_54 : vector<2000x16xf32>
    %swap3A_56 = arith.constant 0 : index
    %swap3A_57 = arith.constant 144 : index
    %swap3A_58 = vector.load %arg19[%swap3A_56, %swap3A_57] : memref<2000x256xf32, #tpu.memory_space<vmem>>, vector<2000x16xf32>
    tpu.vector_store %arg19[%swap3A_56, %swap3A_57], %mul3A_55 {strides = array<i32>} : memref<2000x256xf32, #tpu.memory_space<vmem>>, vector<2000x16xf32>,
    %slice3A_59 = vector.extract_strided_slice %get3A_1 {offsets = [0, 10], sizes = [2000, 1], strides = [1, 1]} : vector<2000x16xf32> to vector<2000x1xf32>
    %mul3A_60 = vector.broadcast %slice3A_59 : vector<2000x1xf32> to vector<2000x16xf32>
    %mul3A_61 = arith.mulf %get3A_1, %mul3A_60 : vector<2000x16xf32>
    %swap3A_62 = arith.constant 0 : index
    %swap3A_63 = arith.constant 160 : index
    %swap3A_64 = vector.load %arg19[%swap3A_62, %swap3A_63] : memref<2000x256xf32, #tpu.memory_space<vmem>>, vector<2000x16xf32>
    tpu.vector_store %arg19[%swap3A_62, %swap3A_63], %mul3A_61 {strides = array<i32>} : memref<2000x256xf32, #tpu.memory_space<vmem>>, vector<2000x16xf32>,
    %slice3A_65 = vector.extract_strided_slice %get3A_1 {offsets = [0, 11], sizes = [2000, 1], strides = [1, 1]} : vector<2000x16xf32> to vector<2000x1xf32>
    %mul3A_66 = vector.broadcast %slice3A_65 : vector<2000x1xf32> to vector<2000x16xf32>
    %mul3A_67 = arith.mulf %get3A_1, %mul3A_66 : vector<2000x16xf32>
    %swap3A_68 = arith.constant 0 : index
    %swap3A_69 = arith.constant 176 : index
    %swap3A_70 = vector.load %arg19[%swap3A_68, %swap3A_69] : memref<2000x256xf32, #tpu.memory_space<vmem>>, vector<2000x16xf32>
    tpu.vector_store %arg19[%swap3A_68, %swap3A_69], %mul3A_67 {strides = array<i32>} : memref<2000x256xf32, #tpu.memory_space<vmem>>, vector<2000x16xf32>,
    %slice3A_71 = vector.extract_strided_slice %get3A_1 {offsets = [0, 12], sizes = [2000, 1], strides = [1, 1]} : vector<2000x16xf32> to vector<2000x1xf32>
    %mul3A_72 = vector.broadcast %slice3A_71 : vector<2000x1xf32> to vector<2000x16xf32>
    %mul3A_73 = arith.mulf %get3A_1, %mul3A_72 : vector<2000x16xf32>
    %swap3A_74 = arith.constant 0 : index
    %swap3A_75 = arith.constant 192 : index
    %swap3A_76 = vector.load %arg19[%swap3A_74, %swap3A_75] : memref<2000x256xf32, #tpu.memory_space<vmem>>, vector<2000x16xf32>
    tpu.vector_store %arg19[%swap3A_74, %swap3A_75], %mul3A_73 {strides = array<i32>} : memref<2000x256xf32, #tpu.memory_space<vmem>>, vector<2000x16xf32>,
    %slice3A_77 = vector.extract_strided_slice %get3A_1 {offsets = [0, 13], sizes = [2000, 1], strides = [1, 1]} : vector<2000x16xf32> to vector<2000x1xf32>
    %mul3A_78 = vector.broadcast %slice3A_77 : vector<2000x1xf32> to vector<2000x16xf32>
    %mul3A_79 = arith.mulf %get3A_1, %mul3A_78 : vector<2000x16xf32>
    %swap3A_80 = arith.constant 0 : index
    %swap3A_81 = arith.constant 208 : index
    %swap3A_82 = vector.load %arg19[%swap3A_80, %swap3A_81] : memref<2000x256xf32, #tpu.memory_space<vmem>>, vector<2000x16xf32>
    tpu.vector_store %arg19[%swap3A_80, %swap3A_81], %mul3A_79 {strides = array<i32>} : memref<2000x256xf32, #tpu.memory_space<vmem>>, vector<2000x16xf32>,
    %slice3A_83 = vector.extract_strided_slice %get3A_1 {offsets = [0, 14], sizes = [2000, 1], strides = [1, 1]} : vector<2000x16xf32> to vector<2000x1xf32>
    %mul3A_84 = vector.broadcast %slice3A_83 : vector<2000x1xf32> to vector<2000x16xf32>
    %mul3A_85 = arith.mulf %get3A_1, %mul3A_84 : vector<2000x16xf32>
    %swap3A_86 = arith.constant 0 : index
    %swap3A_87 = arith.constant 224 : index
    %swap3A_88 = vector.load %arg19[%swap3A_86, %swap3A_87] : memref<2000x256xf32, #tpu.memory_space<vmem>>, vector<2000x16xf32>
    tpu.vector_store %arg19[%swap3A_86, %swap3A_87], %mul3A_85 {strides = array<i32>} : memref<2000x256xf32, #tpu.memory_space<vmem>>, vector<2000x16xf32>,
    %slice3A_89 = vector.extract_strided_slice %get3A_1 {offsets = [0, 15], sizes = [2000, 1], strides = [1, 1]} : vector<2000x16xf32> to vector<2000x1xf32>
    %mul3A_90 = vector.broadcast %slice3A_89 : vector<2000x1xf32> to vector<2000x16xf32>
    %mul3A_91 = arith.mulf %get3A_1, %mul3A_90 : vector<2000x16xf32>
    %swap3A_92 = arith.constant 0 : index
    %swap3A_93 = arith.constant 240 : index
    %swap3A_94 = vector.load %arg19[%swap3A_92, %swap3A_93] : memref<2000x256xf32, #tpu.memory_space<vmem>>, vector<2000x16xf32>
    tpu.vector_store %arg19[%swap3A_92, %swap3A_93], %mul3A_91 {strides = array<i32>} : memref<2000x256xf32, #tpu.memory_space<vmem>>, vector<2000x16xf32>,
    %get3A_95 = arith.constant 0 : index
    %get3A_96 = arith.constant 0 : index
    %get3A_97 = vector.load %arg19[%get3A_95, %get3A_96] : memref<2000x256xf32, #tpu.memory_space<vmem>>, vector<2000x256xf32>
    %get3A_98 = arith.constant 0 : index
    %get3A_99 = arith.constant 0 : index
    %get3A_100 = vector.load %arg3[%get3A_98, %get3A_99] : memref<2000x1xi32, #tpu.memory_space<vmem>>, vector<2000x1xi32>
    %iota3A = tpu.iota {dimensions = array<i32: 1>} : vector<2000x4xi32>
    %eq3A = vector.broadcast %get3A_100 : vector<2000x1xi32> to vector<2000x4xi32>
    %eq3A_101 = arith.cmpi eq, %eq3A, %iota3A : vector<2000x4xi32>
    %convert_element_type3A = arith.extui %eq3A_101 : vector<2000x4xi1> to vector<2000x4xi32>
    %convert_element_type3A_102 = arith.sitofp %convert_element_type3A : vector<2000x4xi32> to vector<2000x4xf32>
    %get3A_103 = arith.constant 0 : index
    %get3A_104 = arith.constant 0 : index
    %get3A_105 = arith.constant 0 : index
    %get3A_106 = vector.load %arg5[%get3A_103, %get3A_104, %get3A_105] : memref<4x256x256xf32, #tpu.memory_space<vmem>>, vector<4x256x256xf32>
    %get3A_107 = arith.constant 0 : index
    %get3A_108 = arith.constant 0 : index
    %get3A_109 = vector.load %arg6[%get3A_107, %get3A_108] : memref<4x256xf32, #tpu.memory_space<vmem>>, vector<4x256xf32>
    %dot_general3A = arith.constant dense<0.000000e+00> : vector<2000x256xf32>
    %dot_general3A_110 = tpu.matmul %convert_element_type3A_102, %get3A_109, %dot_general3A {dimension_numbers = #tpu.dot_dimension_numbers<[1], [0], [0], [1], [0, 0, 1, 1], [], []>, transpose_lhs_hint = false} : vector<2000x4xf32>, vector<4x256xf32>, vector<2000x256xf32> -> vector<2000x256xf32>
    %slice3A_111 = vector.extract_strided_slice %convert_element_type3A_102 {offsets = [0, 0], sizes = [2000, 1], strides = [1, 1]} : vector<2000x4xf32> to vector<2000x1xf32>
    %slice3A_112 = vector.extract_strided_slice %get3A_106 {offsets = [0, 0, 0], sizes = [1, 256, 256], strides = [1, 1, 1]} : vector<4x256x256xf32> to vector<1x256x256xf32>
    %squeeze3A = vector.shape_cast %slice3A_112 : vector<1x256x256xf32> to vector<256x256xf32>
    %dot_general3A_113 = arith.constant dense<0.000000e+00> : vector<2000x256xf32>
    %dot_general3A_114 = tpu.matmul %get3A_97, %squeeze3A, %dot_general3A_113 {dimension_numbers = #tpu.dot_dimension_numbers<[1], [0], [0], [1], [0, 0, 1, 1], [], []>, transpose_lhs_hint = false} : vector<2000x256xf32>, vector<256x256xf32>, vector<2000x256xf32> -> vector<2000x256xf32>
    %mul3A_115 = vector.broadcast %slice3A_111 : vector<2000x1xf32> to vector<2000x256xf32>
    %mul3A_116 = arith.mulf %mul3A_115, %dot_general3A_114 : vector<2000x256xf32>
    %add3A = arith.addf %dot_general3A_110, %mul3A_116 : vector<2000x256xf32>
    %slice3A_117 = vector.extract_strided_slice %convert_element_type3A_102 {offsets = [0, 1], sizes = [2000, 1], strides = [1, 1]} : vector<2000x4xf32> to vector<2000x1xf32>
    %slice3A_118 = vector.extract_strided_slice %get3A_106 {offsets = [1, 0, 0], sizes = [1, 256, 256], strides = [1, 1, 1]} : vector<4x256x256xf32> to vector<1x256x256xf32>
    %squeeze3A_119 = vector.shape_cast %slice3A_118 : vector<1x256x256xf32> to vector<256x256xf32>
    %dot_general3A_120 = arith.constant dense<0.000000e+00> : vector<2000x256xf32>
    %dot_general3A_121 = tpu.matmul %get3A_97, %squeeze3A_119, %dot_general3A_120 {dimension_numbers = #tpu.dot_dimension_numbers<[1], [0], [0], [1], [0, 0, 1, 1], [], []>, transpose_lhs_hint = false} : vector<2000x256xf32>, vector<256x256xf32>, vector<2000x256xf32> -> vector<2000x256xf32>
    %mul3A_122 = vector.broadcast %slice3A_117 : vector<2000x1xf32> to vector<2000x256xf32>
    %mul3A_123 = arith.mulf %mul3A_122, %dot_general3A_121 : vector<2000x256xf32>
    %add3A_124 = arith.addf %add3A, %mul3A_123 : vector<2000x256xf32>
    %slice3A_125 = vector.extract_strided_slice %convert_element_type3A_102 {offsets = [0, 2], sizes = [2000, 1], strides = [1, 1]} : vector<2000x4xf32> to vector<2000x1xf32>
    %slice3A_126 = vector.extract_strided_slice %get3A_106 {offsets = [2, 0, 0], sizes = [1, 256, 256], strides = [1, 1, 1]} : vector<4x256x256xf32> to vector<1x256x256xf32>
    %squeeze3A_127 = vector.shape_cast %slice3A_126 : vector<1x256x256xf32> to vector<256x256xf32>
    %dot_general3A_128 = arith.constant dense<0.000000e+00> : vector<2000x256xf32>
    %dot_general3A_129 = tpu.matmul %get3A_97, %squeeze3A_127, %dot_general3A_128 {dimension_numbers = #tpu.dot_dimension_numbers<[1], [0], [0], [1], [0, 0, 1, 1], [], []>, transpose_lhs_hint = false} : vector<2000x256xf32>, vector<256x256xf32>, vector<2000x256xf32> -> vector<2000x256xf32>
    %mul3A_130 = vector.broadcast %slice3A_125 : vector<2000x1xf32> to vector<2000x256xf32>
    %mul3A_131 = arith.mulf %mul3A_130, %dot_general3A_129 : vector<2000x256xf32>
    %add3A_132 = arith.addf %add3A_124, %mul3A_131 : vector<2000x256xf32>
    %slice3A_133 = vector.extract_strided_slice %convert_element_type3A_102 {offsets = [0, 3], sizes = [2000, 1], strides = [1, 1]} : vector<2000x4xf32> to vector<2000x1xf32>
    %slice3A_134 = vector.extract_strided_slice %get3A_106 {offsets = [3, 0, 0], sizes = [1, 256, 256], strides = [1, 1, 1]} : vector<4x256x256xf32> to vector<1x256x256xf32>
    %squeeze3A_135 = vector.shape_cast %slice3A_134 : vector<1x256x256xf32> to vector<256x256xf32>
    %dot_general3A_136 = arith.constant dense<0.000000e+00> : vector<2000x256xf32>
    %dot_general3A_137 = tpu.matmul %get3A_97, %squeeze3A_135, %dot_general3A_136 {dimension_numbers = #tpu.dot_dimension_numbers<[1], [0], [0], [1], [0, 0, 1, 1], [], []>, transpose_lhs_hint = false} : vector<2000x256xf32>, vector<256x256xf32>, vector<2000x256xf32> -> vector<2000x256xf32>
    %mul3A_138 = vector.broadcast %slice3A_133 : vector<2000x1xf32> to vector<2000x256xf32>
    %mul3A_139 = arith.mulf %mul3A_138, %dot_general3A_137 : vector<2000x256xf32>
    %add3A_140 = arith.addf %add3A_132, %mul3A_139 : vector<2000x256xf32>
    %reduce_sum3A = arith.constant dense<0.000000e+00> : vector<2000xf32>
    %reduce_sum3A_141 = vector.multi_reduction <add>, %add3A_140, %reduce_sum3A [1] : vector<2000x256xf32> to vector<2000xf32>
    %broadcast_in_dim3A = vector.shape_cast %reduce_sum3A_141 : vector<2000xf32> to vector<2000x1xf32>
    %div3A = arith.constant 2.560000e+02 : f32
    %div3A_142 = vector.broadcast %div3A : f32 to vector<2000x1xf32>
    %div3A_143 = arith.divf %broadcast_in_dim3A, %div3A_142 : vector<2000x1xf32>
    %sub3A = vector.broadcast %div3A_143 : vector<2000x1xf32> to vector<2000x256xf32>
    %sub3A_144 = arith.subf %add3A_140, %sub3A : vector<2000x256xf32>
    %sub3A_145 = vector.broadcast %div3A_143 : vector<2000x1xf32> to vector<2000x256xf32>
    %sub3A_146 = arith.subf %add3A_140, %sub3A_145 : vector<2000x256xf32>
    %mul3A_147 = arith.mulf %sub3A_144, %sub3A_146 : vector<2000x256xf32>
    %reduce_sum3A_148 = arith.constant dense<0.000000e+00> : vector<2000xf32>
    %reduce_sum3A_149 = vector.multi_reduction <add>, %mul3A_147, %reduce_sum3A_148 [1] : vector<2000x256xf32> to vector<2000xf32>
    %broadcast_in_dim3A_150 = vector.shape_cast %reduce_sum3A_149 : vector<2000xf32> to vector<2000x1xf32>
    %div3A_151 = arith.constant 2.560000e+02 : f32
    %div3A_152 = vector.broadcast %div3A_151 : f32 to vector<2000x1xf32>
    %div3A_153 = arith.divf %broadcast_in_dim3A_150, %div3A_152 : vector<2000x1xf32>
    %sub3A_154 = vector.broadcast %div3A_143 : vector<2000x1xf32> to vector<2000x256xf32>
    %sub3A_155 = arith.subf %add3A_140, %sub3A_154 : vector<2000x256xf32>
    %add3A_156 = arith.constant 9.99999974E-6 : f32
    %add3A_157 = vector.broadcast %add3A_156 : f32 to vector<2000x1xf32>
    %add3A_158 = arith.addf %div3A_153, %add3A_157 : vector<2000x1xf32>
    %rsqrt3A = math.rsqrt %add3A_158 : vector<2000x1xf32>
    %mul3A_159 = vector.broadcast %rsqrt3A : vector<2000x1xf32> to vector<2000x256xf32>
    %mul3A_160 = arith.mulf %sub3A_155, %mul3A_159 : vector<2000x256xf32>
    %max3A = arith.constant 0.000000e+00 : f32
    %max3A_161 = vector.broadcast %max3A : f32 to vector<2000x256xf32>
    %max3A_162 = arith.maximumf %mul3A_160, %max3A_161 : vector<2000x256xf32>
    %get3A_163 = arith.constant 0 : index
    %get3A_164 = arith.constant 0 : index
    %get3A_165 = arith.constant 0 : index
    %get3A_166 = vector.load %arg7[%get3A_163, %get3A_164, %get3A_165] : memref<4x256x128xf32, #tpu.memory_space<vmem>>, vector<4x256x128xf32>
    %get3A_167 = arith.constant 0 : index
    %get3A_168 = arith.constant 0 : index
    %get3A_169 = vector.load %arg8[%get3A_167, %get3A_168] : memref<4x128xf32, #tpu.memory_space<vmem>>, vector<4x128xf32>
    %dot_general3A_170 = arith.constant dense<0.000000e+00> : vector<2000x128xf32>
    %dot_general3A_171 = tpu.matmul %convert_element_type3A_102, %get3A_169, %dot_general3A_170 {dimension_numbers = #tpu.dot_dimension_numbers<[1], [0], [0], [1], [0, 0, 1, 1], [], []>, transpose_lhs_hint = false} : vector<2000x4xf32>, vector<4x128xf32>, vector<2000x128xf32> -> vector<2000x128xf32>
    %slice3A_172 = vector.extract_strided_slice %convert_element_type3A_102 {offsets = [0, 0], sizes = [2000, 1], strides = [1, 1]} : vector<2000x4xf32> to vector<2000x1xf32>
    %slice3A_173 = vector.extract_strided_slice %get3A_166 {offsets = [0, 0, 0], sizes = [1, 256, 128], strides = [1, 1, 1]} : vector<4x256x128xf32> to vector<1x256x128xf32>
    %squeeze3A_174 = vector.shape_cast %slice3A_173 : vector<1x256x128xf32> to vector<256x128xf32>
    %dot_general3A_175 = arith.constant dense<0.000000e+00> : vector<2000x128xf32>
    %dot_general3A_176 = tpu.matmul %max3A_162, %squeeze3A_174, %dot_general3A_175 {dimension_numbers = #tpu.dot_dimension_numbers<[1], [0], [0], [1], [0, 0, 1, 1], [], []>, transpose_lhs_hint = false} : vector<2000x256xf32>, vector<256x128xf32>, vector<2000x128xf32> -> vector<2000x128xf32>
    %mul3A_177 = vector.broadcast %slice3A_172 : vector<2000x1xf32> to vector<2000x128xf32>
    %mul3A_178 = arith.mulf %mul3A_177, %dot_general3A_176 : vector<2000x128xf32>
    %add3A_179 = arith.addf %dot_general3A_171, %mul3A_178 : vector<2000x128xf32>
    %slice3A_180 = vector.extract_strided_slice %convert_element_type3A_102 {offsets = [0, 1], sizes = [2000, 1], strides = [1, 1]} : vector<2000x4xf32> to vector<2000x1xf32>
    %slice3A_181 = vector.extract_strided_slice %get3A_166 {offsets = [1, 0, 0], sizes = [1, 256, 128], strides = [1, 1, 1]} : vector<4x256x128xf32> to vector<1x256x128xf32>
    %squeeze3A_182 = vector.shape_cast %slice3A_181 : vector<1x256x128xf32> to vector<256x128xf32>
    %dot_general3A_183 = arith.constant dense<0.000000e+00> : vector<2000x128xf32>
    %dot_general3A_184 = tpu.matmul %max3A_162, %squeeze3A_182, %dot_general3A_183 {dimension_numbers = #tpu.dot_dimension_numbers<[1], [0], [0], [1], [0, 0, 1, 1], [], []>, transpose_lhs_hint = false} : vector<2000x256xf32>, vector<256x128xf32>, vector<2000x128xf32> -> vector<2000x128xf32>
    %mul3A_185 = vector.broadcast %slice3A_180 : vector<2000x1xf32> to vector<2000x128xf32>
    %mul3A_186 = arith.mulf %mul3A_185, %dot_general3A_184 : vector<2000x128xf32>
    %add3A_187 = arith.addf %add3A_179, %mul3A_186 : vector<2000x128xf32>
    %slice3A_188 = vector.extract_strided_slice %convert_element_type3A_102 {offsets = [0, 2], sizes = [2000, 1], strides = [1, 1]} : vector<2000x4xf32> to vector<2000x1xf32>
    %slice3A_189 = vector.extract_strided_slice %get3A_166 {offsets = [2, 0, 0], sizes = [1, 256, 128], strides = [1, 1, 1]} : vector<4x256x128xf32> to vector<1x256x128xf32>
    %squeeze3A_190 = vector.shape_cast %slice3A_189 : vector<1x256x128xf32> to vector<256x128xf32>
    %dot_general3A_191 = arith.constant dense<0.000000e+00> : vector<2000x128xf32>
    %dot_general3A_192 = tpu.matmul %max3A_162, %squeeze3A_190, %dot_general3A_191 {dimension_numbers = #tpu.dot_dimension_numbers<[1], [0], [0], [1], [0, 0, 1, 1], [], []>, transpose_lhs_hint = false} : vector<2000x256xf32>, vector<256x128xf32>, vector<2000x128xf32> -> vector<2000x128xf32>
    %mul3A_193 = vector.broadcast %slice3A_188 : vector<2000x1xf32> to vector<2000x128xf32>
    %mul3A_194 = arith.mulf %mul3A_193, %dot_general3A_192 : vector<2000x128xf32>
    %add3A_195 = arith.addf %add3A_187, %mul3A_194 : vector<2000x128xf32>
    %slice3A_196 = vector.extract_strided_slice %convert_element_type3A_102 {offsets = [0, 3], sizes = [2000, 1], strides = [1, 1]} : vector<2000x4xf32> to vector<2000x1xf32>
    %slice3A_197 = vector.extract_strided_slice %get3A_166 {offsets = [3, 0, 0], sizes = [1, 256, 128], strides = [1, 1, 1]} : vector<4x256x128xf32> to vector<1x256x128xf32>
    %squeeze3A_198 = vector.shape_cast %slice3A_197 : vector<1x256x128xf32> to vector<256x128xf32>
    %dot_general3A_199 = arith.constant dense<0.000000e+00> : vector<2000x128xf32>
    %dot_general3A_200 = tpu.matmul %max3A_162, %squeeze3A_198, %dot_general3A_199 {dimension_numbers = #tpu.dot_dimension_numbers<[1], [0], [0], [1], [0, 0, 1, 1], [], []>, transpose_lhs_hint = false} : vector<2000x256xf32>, vector<256x128xf32>, vector<2000x128xf32> -> vector<2000x128xf32>
    %mul3A_201 = vector.broadcast %slice3A_196 : vector<2000x1xf32> to vector<2000x128xf32>
    %mul3A_202 = arith.mulf %mul3A_201, %dot_general3A_200 : vector<2000x128xf32>
    %add3A_203 = arith.addf %add3A_195, %mul3A_202 : vector<2000x128xf32>
    %reduce_sum3A_204 = arith.constant dense<0.000000e+00> : vector<2000xf32>
    %reduce_sum3A_205 = vector.multi_reduction <add>, %add3A_203, %reduce_sum3A_204 [1] : vector<2000x128xf32> to vector<2000xf32>
    %broadcast_in_dim3A_206 = vector.shape_cast %reduce_sum3A_205 : vector<2000xf32> to vector<2000x1xf32>
    %div3A_207 = arith.constant 1.280000e+02 : f32
    %div3A_208 = vector.broadcast %div3A_207 : f32 to vector<2000x1xf32>
    %div3A_209 = arith.divf %broadcast_in_dim3A_206, %div3A_208 : vector<2000x1xf32>
    %sub3A_210 = vector.broadcast %div3A_209 : vector<2000x1xf32> to vector<2000x128xf32>
    %sub3A_211 = arith.subf %add3A_203, %sub3A_210 : vector<2000x128xf32>
    %sub3A_212 = vector.broadcast %div3A_209 : vector<2000x1xf32> to vector<2000x128xf32>
    %sub3A_213 = arith.subf %add3A_203, %sub3A_212 : vector<2000x128xf32>
    %mul3A_214 = arith.mulf %sub3A_211, %sub3A_213 : vector<2000x128xf32>
    %reduce_sum3A_215 = arith.constant dense<0.000000e+00> : vector<2000xf32>
    %reduce_sum3A_216 = vector.multi_reduction <add>, %mul3A_214, %reduce_sum3A_215 [1] : vector<2000x128xf32> to vector<2000xf32>
    %broadcast_in_dim3A_217 = vector.shape_cast %reduce_sum3A_216 : vector<2000xf32> to vector<2000x1xf32>
    %div3A_218 = arith.constant 1.280000e+02 : f32
    %div3A_219 = vector.broadcast %div3A_218 : f32 to vector<2000x1xf32>
    %div3A_220 = arith.divf %broadcast_in_dim3A_217, %div3A_219 : vector<2000x1xf32>
    %sub3A_221 = vector.broadcast %div3A_209 : vector<2000x1xf32> to vector<2000x128xf32>
    %sub3A_222 = arith.subf %add3A_203, %sub3A_221 : vector<2000x128xf32>
    %add3A_223 = arith.constant 9.99999974E-6 : f32
    %add3A_224 = vector.broadcast %add3A_223 : f32 to vector<2000x1xf32>
    %add3A_225 = arith.addf %div3A_220, %add3A_224 : vector<2000x1xf32>
    %rsqrt3A_226 = math.rsqrt %add3A_225 : vector<2000x1xf32>
    %mul3A_227 = vector.broadcast %rsqrt3A_226 : vector<2000x1xf32> to vector<2000x128xf32>
    %mul3A_228 = arith.mulf %sub3A_222, %mul3A_227 : vector<2000x128xf32>
    %max3A_229 = arith.constant 0.000000e+00 : f32
    %max3A_230 = vector.broadcast %max3A_229 : f32 to vector<2000x128xf32>
    %max3A_231 = arith.maximumf %mul3A_228, %max3A_230 : vector<2000x128xf32>
    %get3A_232 = arith.constant 0 : index
    %get3A_233 = arith.constant 0 : index
    %get3A_234 = vector.load %arg9[%get3A_232, %get3A_233] : memref<4x128xf32, #tpu.memory_space<vmem>>, vector<4x128xf32>
    %get3A_235 = arith.constant 0 : index
    %get3A_236 = arith.constant 0 : index
    %get3A_237 = vector.load %arg10[%get3A_235, %get3A_236] : memref<4x1xf32, #tpu.memory_space<vmem>>, vector<4x1xf32>
    %dot_general3A_238 = arith.constant dense<0.000000e+00> : vector<2000x1xf32>
    %dot_general3A_239 = tpu.matmul %convert_element_type3A_102, %get3A_237, %dot_general3A_238 {dimension_numbers = #tpu.dot_dimension_numbers<[1], [0], [0], [1], [0, 0, 1, 1], [], []>, transpose_lhs_hint = false} : vector<2000x4xf32>, vector<4x1xf32>, vector<2000x1xf32> -> vector<2000x1xf32>
    %slice3A_240 = vector.extract_strided_slice %convert_element_type3A_102 {offsets = [0, 0], sizes = [2000, 1], strides = [1, 1]} : vector<2000x4xf32> to vector<2000x1xf32>
    %slice3A_241 = vector.extract_strided_slice %get3A_234 {offsets = [0, 0], sizes = [1, 128], strides = [1, 1]} : vector<4x128xf32> to vector<1x128xf32>
    %squeeze3A_242 = vector.shape_cast %slice3A_241 : vector<1x128xf32> to vector<128xf32>
    %broadcast_in_dim3A_243 = vector.shape_cast %squeeze3A_242 : vector<128xf32> to vector<1x128xf32>
    %mul3A_244 = vector.broadcast %broadcast_in_dim3A_243 : vector<1x128xf32> to vector<2000x128xf32>
    %mul3A_245 = arith.mulf %max3A_231, %mul3A_244 : vector<2000x128xf32>
    %reduce_sum3A_246 = arith.constant dense<0.000000e+00> : vector<2000xf32>
    %reduce_sum3A_247 = vector.multi_reduction <add>, %mul3A_245, %reduce_sum3A_246 [1] : vector<2000x128xf32> to vector<2000xf32>
    %broadcast_in_dim3A_248 = vector.shape_cast %reduce_sum3A_247 : vector<2000xf32> to vector<2000x1xf32>
    %mul3A_249 = arith.mulf %slice3A_240, %broadcast_in_dim3A_248 : vector<2000x1xf32>
    %add3A_250 = arith.addf %dot_general3A_239, %mul3A_249 : vector<2000x1xf32>
    %slice3A_251 = vector.extract_strided_slice %convert_element_type3A_102 {offsets = [0, 1], sizes = [2000, 1], strides = [1, 1]} : vector<2000x4xf32> to vector<2000x1xf32>
    %slice3A_252 = vector.extract_strided_slice %get3A_234 {offsets = [1, 0], sizes = [1, 128], strides = [1, 1]} : vector<4x128xf32> to vector<1x128xf32>
    %squeeze3A_253 = vector.shape_cast %slice3A_252 : vector<1x128xf32> to vector<128xf32>
    %broadcast_in_dim3A_254 = vector.shape_cast %squeeze3A_253 : vector<128xf32> to vector<1x128xf32>
    %mul3A_255 = vector.broadcast %broadcast_in_dim3A_254 : vector<1x128xf32> to vector<2000x128xf32>
    %mul3A_256 = arith.mulf %max3A_231, %mul3A_255 : vector<2000x128xf32>
    %reduce_sum3A_257 = arith.constant dense<0.000000e+00> : vector<2000xf32>
    %reduce_sum3A_258 = vector.multi_reduction <add>, %mul3A_256, %reduce_sum3A_257 [1] : vector<2000x128xf32> to vector<2000xf32>
    %broadcast_in_dim3A_259 = vector.shape_cast %reduce_sum3A_258 : vector<2000xf32> to vector<2000x1xf32>
    %mul3A_260 = arith.mulf %slice3A_251, %broadcast_in_dim3A_259 : vector<2000x1xf32>
    %add3A_261 = arith.addf %add3A_250, %mul3A_260 : vector<2000x1xf32>
    %slice3A_262 = vector.extract_strided_slice %convert_element_type3A_102 {offsets = [0, 2], sizes = [2000, 1], strides = [1, 1]} : vector<2000x4xf32> to vector<2000x1xf32>
    %slice3A_263 = vector.extract_strided_slice %get3A_234 {offsets = [2, 0], sizes = [1, 128], strides = [1, 1]} : vector<4x128xf32> to vector<1x128xf32>
    %squeeze3A_264 = vector.shape_cast %slice3A_263 : vector<1x128xf32> to vector<128xf32>
    %broadcast_in_dim3A_265 = vector.shape_cast %squeeze3A_264 : vector<128xf32> to vector<1x128xf32>
    %mul3A_266 = vector.broadcast %broadcast_in_dim3A_265 : vector<1x128xf32> to vector<2000x128xf32>
    %mul3A_267 = arith.mulf %max3A_231, %mul3A_266 : vector<2000x128xf32>
    %reduce_sum3A_268 = arith.constant dense<0.000000e+00> : vector<2000xf32>
    %reduce_sum3A_269 = vector.multi_reduction <add>, %mul3A_267, %reduce_sum3A_268 [1] : vector<2000x128xf32> to vector<2000xf32>
    %broadcast_in_dim3A_270 = vector.shape_cast %reduce_sum3A_269 : vector<2000xf32> to vector<2000x1xf32>
    %mul3A_271 = arith.mulf %slice3A_262, %broadcast_in_dim3A_270 : vector<2000x1xf32>
    %add3A_272 = arith.addf %add3A_261, %mul3A_271 : vector<2000x1xf32>
    %slice3A_273 = vector.extract_strided_slice %convert_element_type3A_102 {offsets = [0, 3], sizes = [2000, 1], strides = [1, 1]} : vector<2000x4xf32> to vector<2000x1xf32>
    %slice3A_274 = vector.extract_strided_slice %get3A_234 {offsets = [3, 0], sizes = [1, 128], strides = [1, 1]} : vector<4x128xf32> to vector<1x128xf32>
    %squeeze3A_275 = vector.shape_cast %slice3A_274 : vector<1x128xf32> to vector<128xf32>
    %broadcast_in_dim3A_276 = vector.shape_cast %squeeze3A_275 : vector<128xf32> to vector<1x128xf32>
    %mul3A_277 = vector.broadcast %broadcast_in_dim3A_276 : vector<1x128xf32> to vector<2000x128xf32>
    %mul3A_278 = arith.mulf %max3A_231, %mul3A_277 : vector<2000x128xf32>
    %reduce_sum3A_279 = arith.constant dense<0.000000e+00> : vector<2000xf32>
    %reduce_sum3A_280 = vector.multi_reduction <add>, %mul3A_278, %reduce_sum3A_279 [1] : vector<2000x128xf32> to vector<2000xf32>
    %broadcast_in_dim3A_281 = vector.shape_cast %reduce_sum3A_280 : vector<2000xf32> to vector<2000x1xf32>
    %mul3A_282 = arith.mulf %slice3A_273, %broadcast_in_dim3A_281 : vector<2000x1xf32>
    %add3A_283 = arith.addf %add3A_272, %mul3A_282 : vector<2000x1xf32>
    %get3A_284 = arith.constant 0 : index
    %get3A_285 = arith.constant 0 : index
    %get3A_286 = vector.load %arg2[%get3A_284, %get3A_285] : memref<2000x4xf32, #tpu.memory_space<vmem>>, vector<2000x4xf32>
    %get3A_287 = arith.constant 0 : index
    %get3A_288 = arith.constant 0 : index
    %get3A_289 = arith.constant 0 : index
    %get3A_290 = vector.load %arg11[%get3A_287, %get3A_288, %get3A_289] : memref<4x4x256xf32, #tpu.memory_space<vmem>>, vector<4x4x256xf32>
    %get3A_291 = arith.constant 0 : index
    %get3A_292 = arith.constant 0 : index
    %get3A_293 = vector.load %arg12[%get3A_291, %get3A_292] : memref<4x256xf32, #tpu.memory_space<vmem>>, vector<4x256xf32>
    %dot_general3A_294 = arith.constant dense<0.000000e+00> : vector<2000x256xf32>
    %dot_general3A_295 = tpu.matmul %convert_element_type3A_102, %get3A_293, %dot_general3A_294 {dimension_numbers = #tpu.dot_dimension_numbers<[1], [0], [0], [1], [0, 0, 1, 1], [], []>, transpose_lhs_hint = false} : vector<2000x4xf32>, vector<4x256xf32>, vector<2000x256xf32> -> vector<2000x256xf32>
    %slice3A_296 = vector.extract_strided_slice %convert_element_type3A_102 {offsets = [0, 0], sizes = [2000, 1], strides = [1, 1]} : vector<2000x4xf32> to vector<2000x1xf32>
    %slice3A_297 = vector.extract_strided_slice %get3A_290 {offsets = [0, 0, 0], sizes = [1, 4, 256], strides = [1, 1, 1]} : vector<4x4x256xf32> to vector<1x4x256xf32>
    %squeeze3A_298 = vector.shape_cast %slice3A_297 : vector<1x4x256xf32> to vector<4x256xf32>
    %dot_general3A_299 = arith.constant dense<0.000000e+00> : vector<2000x256xf32>
    %dot_general3A_300 = tpu.matmul %get3A_286, %squeeze3A_298, %dot_general3A_299 {dimension_numbers = #tpu.dot_dimension_numbers<[1], [0], [0], [1], [0, 0, 1, 1], [], []>, transpose_lhs_hint = false} : vector<2000x4xf32>, vector<4x256xf32>, vector<2000x256xf32> -> vector<2000x256xf32>
    %mul3A_301 = vector.broadcast %slice3A_296 : vector<2000x1xf32> to vector<2000x256xf32>
    %mul3A_302 = arith.mulf %mul3A_301, %dot_general3A_300 : vector<2000x256xf32>
    %add3A_303 = arith.addf %dot_general3A_295, %mul3A_302 : vector<2000x256xf32>
    %slice3A_304 = vector.extract_strided_slice %convert_element_type3A_102 {offsets = [0, 1], sizes = [2000, 1], strides = [1, 1]} : vector<2000x4xf32> to vector<2000x1xf32>
    %slice3A_305 = vector.extract_strided_slice %get3A_290 {offsets = [1, 0, 0], sizes = [1, 4, 256], strides = [1, 1, 1]} : vector<4x4x256xf32> to vector<1x4x256xf32>
    %squeeze3A_306 = vector.shape_cast %slice3A_305 : vector<1x4x256xf32> to vector<4x256xf32>
    %dot_general3A_307 = arith.constant dense<0.000000e+00> : vector<2000x256xf32>
    %dot_general3A_308 = tpu.matmul %get3A_286, %squeeze3A_306, %dot_general3A_307 {dimension_numbers = #tpu.dot_dimension_numbers<[1], [0], [0], [1], [0, 0, 1, 1], [], []>, transpose_lhs_hint = false} : vector<2000x4xf32>, vector<4x256xf32>, vector<2000x256xf32> -> vector<2000x256xf32>
    %mul3A_309 = vector.broadcast %slice3A_304 : vector<2000x1xf32> to vector<2000x256xf32>
    %mul3A_310 = arith.mulf %mul3A_309, %dot_general3A_308 : vector<2000x256xf32>
    %add3A_311 = arith.addf %add3A_303, %mul3A_310 : vector<2000x256xf32>
    %slice3A_312 = vector.extract_strided_slice %convert_element_type3A_102 {offsets = [0, 2], sizes = [2000, 1], strides = [1, 1]} : vector<2000x4xf32> to vector<2000x1xf32>
    %slice3A_313 = vector.extract_strided_slice %get3A_290 {offsets = [2, 0, 0], sizes = [1, 4, 256], strides = [1, 1, 1]} : vector<4x4x256xf32> to vector<1x4x256xf32>
    %squeeze3A_314 = vector.shape_cast %slice3A_313 : vector<1x4x256xf32> to vector<4x256xf32>
    %dot_general3A_315 = arith.constant dense<0.000000e+00> : vector<2000x256xf32>
    %dot_general3A_316 = tpu.matmul %get3A_286, %squeeze3A_314, %dot_general3A_315 {dimension_numbers = #tpu.dot_dimension_numbers<[1], [0], [0], [1], [0, 0, 1, 1], [], []>, transpose_lhs_hint = false} : vector<2000x4xf32>, vector<4x256xf32>, vector<2000x256xf32> -> vector<2000x256xf32>
    %mul3A_317 = vector.broadcast %slice3A_312 : vector<2000x1xf32> to vector<2000x256xf32>
    %mul3A_318 = arith.mulf %mul3A_317, %dot_general3A_316 : vector<2000x256xf32>
    %add3A_319 = arith.addf %add3A_311, %mul3A_318 : vector<2000x256xf32>
    %slice3A_320 = vector.extract_strided_slice %convert_element_type3A_102 {offsets = [0, 3], sizes = [2000, 1], strides = [1, 1]} : vector<2000x4xf32> to vector<2000x1xf32>
    %slice3A_321 = vector.extract_strided_slice %get3A_290 {offsets = [3, 0, 0], sizes = [1, 4, 256], strides = [1, 1, 1]} : vector<4x4x256xf32> to vector<1x4x256xf32>
    %squeeze3A_322 = vector.shape_cast %slice3A_321 : vector<1x4x256xf32> to vector<4x256xf32>
    %dot_general3A_323 = arith.constant dense<0.000000e+00> : vector<2000x256xf32>
    %dot_general3A_324 = tpu.matmul %get3A_286, %squeeze3A_322, %dot_general3A_323 {dimension_numbers = #tpu.dot_dimension_numbers<[1], [0], [0], [1], [0, 0, 1, 1], [], []>, transpose_lhs_hint = false} : vector<2000x4xf32>, vector<4x256xf32>, vector<2000x256xf32> -> vector<2000x256xf32>
    %mul3A_325 = vector.broadcast %slice3A_320 : vector<2000x1xf32> to vector<2000x256xf32>
    %mul3A_326 = arith.mulf %mul3A_325, %dot_general3A_324 : vector<2000x256xf32>
    %add3A_327 = arith.addf %add3A_319, %mul3A_326 : vector<2000x256xf32>
    %reduce_sum3A_328 = arith.constant dense<0.000000e+00> : vector<2000xf32>
    %reduce_sum3A_329 = vector.multi_reduction <add>, %add3A_327, %reduce_sum3A_328 [1] : vector<2000x256xf32> to vector<2000xf32>
    %broadcast_in_dim3A_330 = vector.shape_cast %reduce_sum3A_329 : vector<2000xf32> to vector<2000x1xf32>
    %div3A_331 = arith.constant 2.560000e+02 : f32
    %div3A_332 = vector.broadcast %div3A_331 : f32 to vector<2000x1xf32>
    %div3A_333 = arith.divf %broadcast_in_dim3A_330, %div3A_332 : vector<2000x1xf32>
    %sub3A_334 = vector.broadcast %div3A_333 : vector<2000x1xf32> to vector<2000x256xf32>
    %sub3A_335 = arith.subf %add3A_327, %sub3A_334 : vector<2000x256xf32>
    %sub3A_336 = vector.broadcast %div3A_333 : vector<2000x1xf32> to vector<2000x256xf32>
    %sub3A_337 = arith.subf %add3A_327, %sub3A_336 : vector<2000x256xf32>
    %mul3A_338 = arith.mulf %sub3A_335, %sub3A_337 : vector<2000x256xf32>
    %reduce_sum3A_339 = arith.constant dense<0.000000e+00> : vector<2000xf32>
    %reduce_sum3A_340 = vector.multi_reduction <add>, %mul3A_338, %reduce_sum3A_339 [1] : vector<2000x256xf32> to vector<2000xf32>
    %broadcast_in_dim3A_341 = vector.shape_cast %reduce_sum3A_340 : vector<2000xf32> to vector<2000x1xf32>
    %div3A_342 = arith.constant 2.560000e+02 : f32
    %div3A_343 = vector.broadcast %div3A_342 : f32 to vector<2000x1xf32>
    %div3A_344 = arith.divf %broadcast_in_dim3A_341, %div3A_343 : vector<2000x1xf32>
    %sub3A_345 = vector.broadcast %div3A_333 : vector<2000x1xf32> to vector<2000x256xf32>
    %sub3A_346 = arith.subf %add3A_327, %sub3A_345 : vector<2000x256xf32>
    %add3A_347 = arith.constant 9.99999974E-6 : f32
    %add3A_348 = vector.broadcast %add3A_347 : f32 to vector<2000x1xf32>
    %add3A_349 = arith.addf %div3A_344, %add3A_348 : vector<2000x1xf32>
    %rsqrt3A_350 = math.rsqrt %add3A_349 : vector<2000x1xf32>
    %mul3A_351 = vector.broadcast %rsqrt3A_350 : vector<2000x1xf32> to vector<2000x256xf32>
    %mul3A_352 = arith.mulf %sub3A_346, %mul3A_351 : vector<2000x256xf32>
    %max3A_353 = arith.constant 0.000000e+00 : f32
    %max3A_354 = vector.broadcast %max3A_353 : f32 to vector<2000x256xf32>
    %max3A_355 = arith.maximumf %mul3A_352, %max3A_354 : vector<2000x256xf32>
    %get3A_356 = arith.constant 0 : index
    %get3A_357 = arith.constant 0 : index
    %get3A_358 = arith.constant 0 : index
    %get3A_359 = vector.load %arg13[%get3A_356, %get3A_357, %get3A_358] : memref<4x256x128xf32, #tpu.memory_space<vmem>>, vector<4x256x128xf32>
    %get3A_360 = arith.constant 0 : index
    %get3A_361 = arith.constant 0 : index
    %get3A_362 = vector.load %arg14[%get3A_360, %get3A_361] : memref<4x128xf32, #tpu.memory_space<vmem>>, vector<4x128xf32>
    %dot_general3A_363 = arith.constant dense<0.000000e+00> : vector<2000x128xf32>
    %dot_general3A_364 = tpu.matmul %convert_element_type3A_102, %get3A_362, %dot_general3A_363 {dimension_numbers = #tpu.dot_dimension_numbers<[1], [0], [0], [1], [0, 0, 1, 1], [], []>, transpose_lhs_hint = false} : vector<2000x4xf32>, vector<4x128xf32>, vector<2000x128xf32> -> vector<2000x128xf32>
    %slice3A_365 = vector.extract_strided_slice %convert_element_type3A_102 {offsets = [0, 0], sizes = [2000, 1], strides = [1, 1]} : vector<2000x4xf32> to vector<2000x1xf32>
    %slice3A_366 = vector.extract_strided_slice %get3A_359 {offsets = [0, 0, 0], sizes = [1, 256, 128], strides = [1, 1, 1]} : vector<4x256x128xf32> to vector<1x256x128xf32>
    %squeeze3A_367 = vector.shape_cast %slice3A_366 : vector<1x256x128xf32> to vector<256x128xf32>
    %dot_general3A_368 = arith.constant dense<0.000000e+00> : vector<2000x128xf32>
    %dot_general3A_369 = tpu.matmul %max3A_355, %squeeze3A_367, %dot_general3A_368 {dimension_numbers = #tpu.dot_dimension_numbers<[1], [0], [0], [1], [0, 0, 1, 1], [], []>, transpose_lhs_hint = false} : vector<2000x256xf32>, vector<256x128xf32>, vector<2000x128xf32> -> vector<2000x128xf32>
    %mul3A_370 = vector.broadcast %slice3A_365 : vector<2000x1xf32> to vector<2000x128xf32>
    %mul3A_371 = arith.mulf %mul3A_370, %dot_general3A_369 : vector<2000x128xf32>
    %add3A_372 = arith.addf %dot_general3A_364, %mul3A_371 : vector<2000x128xf32>
    %slice3A_373 = vector.extract_strided_slice %convert_element_type3A_102 {offsets = [0, 1], sizes = [2000, 1], strides = [1, 1]} : vector<2000x4xf32> to vector<2000x1xf32>
    %slice3A_374 = vector.extract_strided_slice %get3A_359 {offsets = [1, 0, 0], sizes = [1, 256, 128], strides = [1, 1, 1]} : vector<4x256x128xf32> to vector<1x256x128xf32>
    %squeeze3A_375 = vector.shape_cast %slice3A_374 : vector<1x256x128xf32> to vector<256x128xf32>
    %dot_general3A_376 = arith.constant dense<0.000000e+00> : vector<2000x128xf32>
    %dot_general3A_377 = tpu.matmul %max3A_355, %squeeze3A_375, %dot_general3A_376 {dimension_numbers = #tpu.dot_dimension_numbers<[1], [0], [0], [1], [0, 0, 1, 1], [], []>, transpose_lhs_hint = false} : vector<2000x256xf32>, vector<256x128xf32>, vector<2000x128xf32> -> vector<2000x128xf32>
    %mul3A_378 = vector.broadcast %slice3A_373 : vector<2000x1xf32> to vector<2000x128xf32>
    %mul3A_379 = arith.mulf %mul3A_378, %dot_general3A_377 : vector<2000x128xf32>
    %add3A_380 = arith.addf %add3A_372, %mul3A_379 : vector<2000x128xf32>
    %slice3A_381 = vector.extract_strided_slice %convert_element_type3A_102 {offsets = [0, 2], sizes = [2000, 1], strides = [1, 1]} : vector<2000x4xf32> to vector<2000x1xf32>
    %slice3A_382 = vector.extract_strided_slice %get3A_359 {offsets = [2, 0, 0], sizes = [1, 256, 128], strides = [1, 1, 1]} : vector<4x256x128xf32> to vector<1x256x128xf32>
    %squeeze3A_383 = vector.shape_cast %slice3A_382 : vector<1x256x128xf32> to vector<256x128xf32>
    %dot_general3A_384 = arith.constant dense<0.000000e+00> : vector<2000x128xf32>
    %dot_general3A_385 = tpu.matmul %max3A_355, %squeeze3A_383, %dot_general3A_384 {dimension_numbers = #tpu.dot_dimension_numbers<[1], [0], [0], [1], [0, 0, 1, 1], [], []>, transpose_lhs_hint = false} : vector<2000x256xf32>, vector<256x128xf32>, vector<2000x128xf32> -> vector<2000x128xf32>
    %mul3A_386 = vector.broadcast %slice3A_381 : vector<2000x1xf32> to vector<2000x128xf32>
    %mul3A_387 = arith.mulf %mul3A_386, %dot_general3A_385 : vector<2000x128xf32>
    %add3A_388 = arith.addf %add3A_380, %mul3A_387 : vector<2000x128xf32>
    %slice3A_389 = vector.extract_strided_slice %convert_element_type3A_102 {offsets = [0, 3], sizes = [2000, 1], strides = [1, 1]} : vector<2000x4xf32> to vector<2000x1xf32>
    %slice3A_390 = vector.extract_strided_slice %get3A_359 {offsets = [3, 0, 0], sizes = [1, 256, 128], strides = [1, 1, 1]} : vector<4x256x128xf32> to vector<1x256x128xf32>
    %squeeze3A_391 = vector.shape_cast %slice3A_390 : vector<1x256x128xf32> to vector<256x128xf32>
    %dot_general3A_392 = arith.constant dense<0.000000e+00> : vector<2000x128xf32>
    %dot_general3A_393 = tpu.matmul %max3A_355, %squeeze3A_391, %dot_general3A_392 {dimension_numbers = #tpu.dot_dimension_numbers<[1], [0], [0], [1], [0, 0, 1, 1], [], []>, transpose_lhs_hint = false} : vector<2000x256xf32>, vector<256x128xf32>, vector<2000x128xf32> -> vector<2000x128xf32>
    %mul3A_394 = vector.broadcast %slice3A_389 : vector<2000x1xf32> to vector<2000x128xf32>
    %mul3A_395 = arith.mulf %mul3A_394, %dot_general3A_393 : vector<2000x128xf32>
    %add3A_396 = arith.addf %add3A_388, %mul3A_395 : vector<2000x128xf32>
    %reduce_sum3A_397 = arith.constant dense<0.000000e+00> : vector<2000xf32>
    %reduce_sum3A_398 = vector.multi_reduction <add>, %add3A_396, %reduce_sum3A_397 [1] : vector<2000x128xf32> to vector<2000xf32>
    %broadcast_in_dim3A_399 = vector.shape_cast %reduce_sum3A_398 : vector<2000xf32> to vector<2000x1xf32>
    %div3A_400 = arith.constant 1.280000e+02 : f32
    %div3A_401 = vector.broadcast %div3A_400 : f32 to vector<2000x1xf32>
    %div3A_402 = arith.divf %broadcast_in_dim3A_399, %div3A_401 : vector<2000x1xf32>
    %sub3A_403 = vector.broadcast %div3A_402 : vector<2000x1xf32> to vector<2000x128xf32>
    %sub3A_404 = arith.subf %add3A_396, %sub3A_403 : vector<2000x128xf32>
    %sub3A_405 = vector.broadcast %div3A_402 : vector<2000x1xf32> to vector<2000x128xf32>
    %sub3A_406 = arith.subf %add3A_396, %sub3A_405 : vector<2000x128xf32>
    %mul3A_407 = arith.mulf %sub3A_404, %sub3A_406 : vector<2000x128xf32>
    %reduce_sum3A_408 = arith.constant dense<0.000000e+00> : vector<2000xf32>
    %reduce_sum3A_409 = vector.multi_reduction <add>, %mul3A_407, %reduce_sum3A_408 [1] : vector<2000x128xf32> to vector<2000xf32>
    %broadcast_in_dim3A_410 = vector.shape_cast %reduce_sum3A_409 : vector<2000xf32> to vector<2000x1xf32>
    %div3A_411 = arith.constant 1.280000e+02 : f32
    %div3A_412 = vector.broadcast %div3A_411 : f32 to vector<2000x1xf32>
    %div3A_413 = arith.divf %broadcast_in_dim3A_410, %div3A_412 : vector<2000x1xf32>
    %sub3A_414 = vector.broadcast %div3A_402 : vector<2000x1xf32> to vector<2000x128xf32>
    %sub3A_415 = arith.subf %add3A_396, %sub3A_414 : vector<2000x128xf32>
    %add3A_416 = arith.constant 9.99999974E-6 : f32
    %add3A_417 = vector.broadcast %add3A_416 : f32 to vector<2000x1xf32>
    %add3A_418 = arith.addf %div3A_413, %add3A_417 : vector<2000x1xf32>
    %rsqrt3A_419 = math.rsqrt %add3A_418 : vector<2000x1xf32>
    %mul3A_420 = vector.broadcast %rsqrt3A_419 : vector<2000x1xf32> to vector<2000x128xf32>
    %mul3A_421 = arith.mulf %sub3A_415, %mul3A_420 : vector<2000x128xf32>
    %max3A_422 = arith.constant 0.000000e+00 : f32
    %max3A_423 = vector.broadcast %max3A_422 : f32 to vector<2000x128xf32>
    %max3A_424 = arith.maximumf %mul3A_421, %max3A_423 : vector<2000x128xf32>
    %get3A_425 = arith.constant 0 : index
    %get3A_426 = arith.constant 0 : index
    %get3A_427 = vector.load %arg15[%get3A_425, %get3A_426] : memref<4x128xf32, #tpu.memory_space<vmem>>, vector<4x128xf32>
    %get3A_428 = arith.constant 0 : index
    %get3A_429 = arith.constant 0 : index
    %get3A_430 = vector.load %arg16[%get3A_428, %get3A_429] : memref<4x1xf32, #tpu.memory_space<vmem>>, vector<4x1xf32>
    %dot_general3A_431 = arith.constant dense<0.000000e+00> : vector<2000x1xf32>
    %dot_general3A_432 = tpu.matmul %convert_element_type3A_102, %get3A_430, %dot_general3A_431 {dimension_numbers = #tpu.dot_dimension_numbers<[1], [0], [0], [1], [0, 0, 1, 1], [], []>, transpose_lhs_hint = false} : vector<2000x4xf32>, vector<4x1xf32>, vector<2000x1xf32> -> vector<2000x1xf32>
    %slice3A_433 = vector.extract_strided_slice %convert_element_type3A_102 {offsets = [0, 0], sizes = [2000, 1], strides = [1, 1]} : vector<2000x4xf32> to vector<2000x1xf32>
    %slice3A_434 = vector.extract_strided_slice %get3A_427 {offsets = [0, 0], sizes = [1, 128], strides = [1, 1]} : vector<4x128xf32> to vector<1x128xf32>
    %squeeze3A_435 = vector.shape_cast %slice3A_434 : vector<1x128xf32> to vector<128xf32>
    %broadcast_in_dim3A_436 = vector.shape_cast %squeeze3A_435 : vector<128xf32> to vector<1x128xf32>
    %mul3A_437 = vector.broadcast %broadcast_in_dim3A_436 : vector<1x128xf32> to vector<2000x128xf32>
    %mul3A_438 = arith.mulf %max3A_424, %mul3A_437 : vector<2000x128xf32>
    %reduce_sum3A_439 = arith.constant dense<0.000000e+00> : vector<2000xf32>
    %reduce_sum3A_440 = vector.multi_reduction <add>, %mul3A_438, %reduce_sum3A_439 [1] : vector<2000x128xf32> to vector<2000xf32>
    %broadcast_in_dim3A_441 = vector.shape_cast %reduce_sum3A_440 : vector<2000xf32> to vector<2000x1xf32>
    %mul3A_442 = arith.mulf %slice3A_433, %broadcast_in_dim3A_441 : vector<2000x1xf32>
    %add3A_443 = arith.addf %dot_general3A_432, %mul3A_442 : vector<2000x1xf32>
    %slice3A_444 = vector.extract_strided_slice %convert_element_type3A_102 {offsets = [0, 1], sizes = [2000, 1], strides = [1, 1]} : vector<2000x4xf32> to vector<2000x1xf32>
    %slice3A_445 = vector.extract_strided_slice %get3A_427 {offsets = [1, 0], sizes = [1, 128], strides = [1, 1]} : vector<4x128xf32> to vector<1x128xf32>
    %squeeze3A_446 = vector.shape_cast %slice3A_445 : vector<1x128xf32> to vector<128xf32>
    %broadcast_in_dim3A_447 = vector.shape_cast %squeeze3A_446 : vector<128xf32> to vector<1x128xf32>
    %mul3A_448 = vector.broadcast %broadcast_in_dim3A_447 : vector<1x128xf32> to vector<2000x128xf32>
    %mul3A_449 = arith.mulf %max3A_424, %mul3A_448 : vector<2000x128xf32>
    %reduce_sum3A_450 = arith.constant dense<0.000000e+00> : vector<2000xf32>
    %reduce_sum3A_451 = vector.multi_reduction <add>, %mul3A_449, %reduce_sum3A_450 [1] : vector<2000x128xf32> to vector<2000xf32>
    %broadcast_in_dim3A_452 = vector.shape_cast %reduce_sum3A_451 : vector<2000xf32> to vector<2000x1xf32>
    %mul3A_453 = arith.mulf %slice3A_444, %broadcast_in_dim3A_452 : vector<2000x1xf32>
    %add3A_454 = arith.addf %add3A_443, %mul3A_453 : vector<2000x1xf32>
    %slice3A_455 = vector.extract_strided_slice %convert_element_type3A_102 {offsets = [0, 2], sizes = [2000, 1], strides = [1, 1]} : vector<2000x4xf32> to vector<2000x1xf32>
    %slice3A_456 = vector.extract_strided_slice %get3A_427 {offsets = [2, 0], sizes = [1, 128], strides = [1, 1]} : vector<4x128xf32> to vector<1x128xf32>
    %squeeze3A_457 = vector.shape_cast %slice3A_456 : vector<1x128xf32> to vector<128xf32>
    %broadcast_in_dim3A_458 = vector.shape_cast %squeeze3A_457 : vector<128xf32> to vector<1x128xf32>
    %mul3A_459 = vector.broadcast %broadcast_in_dim3A_458 : vector<1x128xf32> to vector<2000x128xf32>
    %mul3A_460 = arith.mulf %max3A_424, %mul3A_459 : vector<2000x128xf32>
    %reduce_sum3A_461 = arith.constant dense<0.000000e+00> : vector<2000xf32>
    %reduce_sum3A_462 = vector.multi_reduction <add>, %mul3A_460, %reduce_sum3A_461 [1] : vector<2000x128xf32> to vector<2000xf32>
    %broadcast_in_dim3A_463 = vector.shape_cast %reduce_sum3A_462 : vector<2000xf32> to vector<2000x1xf32>
    %mul3A_464 = arith.mulf %slice3A_455, %broadcast_in_dim3A_463 : vector<2000x1xf32>
    %add3A_465 = arith.addf %add3A_454, %mul3A_464 : vector<2000x1xf32>
    %slice3A_466 = vector.extract_strided_slice %convert_element_type3A_102 {offsets = [0, 3], sizes = [2000, 1], strides = [1, 1]} : vector<2000x4xf32> to vector<2000x1xf32>
    %slice3A_467 = vector.extract_strided_slice %get3A_427 {offsets = [3, 0], sizes = [1, 128], strides = [1, 1]} : vector<4x128xf32> to vector<1x128xf32>
    %squeeze3A_468 = vector.shape_cast %slice3A_467 : vector<1x128xf32> to vector<128xf32>
    %broadcast_in_dim3A_469 = vector.shape_cast %squeeze3A_468 : vector<128xf32> to vector<1x128xf32>
    %mul3A_470 = vector.broadcast %broadcast_in_dim3A_469 : vector<1x128xf32> to vector<2000x128xf32>
    %mul3A_471 = arith.mulf %max3A_424, %mul3A_470 : vector<2000x128xf32>
    %reduce_sum3A_472 = arith.constant dense<0.000000e+00> : vector<2000xf32>
    %reduce_sum3A_473 = vector.multi_reduction <add>, %mul3A_471, %reduce_sum3A_472 [1] : vector<2000x128xf32> to vector<2000xf32>
    %broadcast_in_dim3A_474 = vector.shape_cast %reduce_sum3A_473 : vector<2000xf32> to vector<2000x1xf32>
    %mul3A_475 = arith.mulf %slice3A_466, %broadcast_in_dim3A_474 : vector<2000x1xf32>
    %add3A_476 = arith.addf %add3A_465, %mul3A_475 : vector<2000x1xf32>
    %add3A_477 = arith.addf %add3A_283, %add3A_476 : vector<2000x1xf32>
    %get3A_478 = arith.constant 0 : index
    %get3A_479 = arith.constant 0 : index
    %get3A_480 = vector.load %arg17[%get3A_478, %get3A_479] : memref<4x1xf32, #tpu.memory_space<vmem>>, vector<4x1xf32>
    %dot_general3A_481 = arith.constant dense<0.000000e+00> : vector<2000x1xf32>
    %dot_general3A_482 = tpu.matmul %convert_element_type3A_102, %get3A_480, %dot_general3A_481 {dimension_numbers = #tpu.dot_dimension_numbers<[1], [0], [0], [1], [0, 0, 1, 1], [], []>, transpose_lhs_hint = false} : vector<2000x4xf32>, vector<4x1xf32>, vector<2000x1xf32> -> vector<2000x1xf32>
    %add3A_483 = arith.addf %add3A_477, %dot_general3A_482 : vector<2000x1xf32>
    %get3A_484 = arith.constant 0 : index
    %get3A_485 = arith.constant 0 : index
    %get3A_486 = vector.load %arg4[%get3A_484, %get3A_485] : memref<2000x1xi32, #tpu.memory_space<vmem>>, vector<2000x1xi32>
    %iota3A_487 = tpu.iota {dimensions = array<i32: 1>} : vector<2000x64xi32>
    %eq3A_488 = vector.broadcast %get3A_486 : vector<2000x1xi32> to vector<2000x64xi32>
    %eq3A_489 = arith.cmpi eq, %eq3A_488, %iota3A_487 : vector<2000x64xi32>
    %convert_element_type3A_490 = arith.extui %eq3A_489 : vector<2000x64xi1> to vector<2000x64xi32>
    %convert_element_type3A_491 = arith.sitofp %convert_element_type3A_490 : vector<2000x64xi32> to vector<2000x64xf32>
    %dot_general3A_492 = arith.constant dense<0.000000e+00> : vector<64x1xf32>
    %dot_general3A_493 = tpu.matmul %convert_element_type3A_491, %add3A_483, %dot_general3A_492 {dimension_numbers = #tpu.dot_dimension_numbers<[0], [0], [1], [1], [0, 1, 1, 1], [], []>, transpose_lhs_hint = false} : vector<2000x64xf32>, vector<2000x1xf32>, vector<64x1xf32> -> vector<64x1xf32>
    %eq3A_494 = arith.constant 0 : i32
    %eq3A_495 = arith.cmpi eq, %arg0, %eq3A_494 : i32
    %convert_element_type3A_496 = arith.extui %eq3A_495 : i1 to i32
    %cond3A = arith.constant 0 : i32
    %cond3A_497 = arith.cmpi ne, %convert_element_type3A_496, %cond3A : i32
    scf.if %cond3A_497 {
      %swap3A_502 = arith.constant 0 : index
      %swap3A_503 = arith.constant 0 : index
      %swap3A_504 = vector.load %arg18[%swap3A_502, %swap3A_503] : memref<64x1xf32, #tpu.memory_space<vmem>>, vector<64x1xf32>
      tpu.vector_store %arg18[%swap3A_502, %swap3A_503], %dot_general3A_493 {strides = array<i32>} : memref<64x1xf32, #tpu.memory_space<vmem>>, vector<64x1xf32>,
    } else {
    }
    %gt3A = arith.constant 0 : i32
    %gt3A_498 = arith.cmpi sgt, %arg0, %gt3A : i32
    %convert_element_type3A_499 = arith.extui %gt3A_498 : i1 to i32
    %cond3A_500 = arith.constant 0 : i32
    %cond3A_501 = arith.cmpi ne, %convert_element_type3A_499, %cond3A_500 : i32
    scf.if %cond3A_501 {
      %get3A_502 = arith.constant 0 : index
      %get3A_503 = arith.constant 0 : index
      %get3A_504 = vector.load %arg18[%get3A_502, %get3A_503] : memref<64x1xf32, #tpu.memory_space<vmem>>, vector<64x1xf32>
      %add3A_505 = arith.addf %get3A_504, %dot_general3A_493 : vector<64x1xf32>
      %swap3A_506 = arith.constant 0 : index
      %swap3A_507 = arith.constant 0 : index
      %swap3A_508 = vector.load %arg18[%swap3A_506, %swap3A_507] : memref<64x1xf32, #tpu.memory_space<vmem>>, vector<64x1xf32>
      tpu.vector_store %arg18[%swap3A_506, %swap3A_507], %add3A_505 {strides = array<i32>} : memref<64x1xf32, #tpu.memory_space<vmem>>, vector<64x1xf32>,
    } else {
    }
    return
  }
  func.func @transform_0(%arg0: i32) -> (i32, i32) {
    %c0_i32 = arith.constant 0 : i32
    %c0_i32_0 = arith.constant 0 : i32
    return %arg0, %c0_i32 : i32, i32
  }
  func.func @transform_1(%arg0: i32) -> (i32, i32) {
    %c0_i32 = arith.constant 0 : i32
    %c0_i32_0 = arith.constant 0 : i32
    return %arg0, %c0_i32 : i32, i32
  }
  func.func @transform_2(%arg0: i32) -> (i32, i32) {
    %c0_i32 = arith.constant 0 : i32
    %c0_i32_0 = arith.constant 0 : i32
    return %arg0, %c0_i32 : i32, i32
  }
  func.func @transform_3(%arg0: i32) -> (i32, i32) {
    %c0_i32 = arith.constant 0 : i32
    %c0_i32_0 = arith.constant 0 : i32
    return %arg0, %c0_i32 : i32, i32
  }
  func.func @transform_4(%arg0: i32) -> (i32, i32, i32) {
    %c0_i32 = arith.constant 0 : i32
    %c0_i32_0 = arith.constant 0 : i32
    %c0_i32_1 = arith.constant 0 : i32
    %c0_i32_2 = arith.constant 0 : i32
    return %c0_i32, %c0_i32_0, %c0_i32_1 : i32, i32, i32
  }
  func.func @transform_5(%arg0: i32) -> (i32, i32) {
    %c0_i32 = arith.constant 0 : i32
    %c0_i32_0 = arith.constant 0 : i32
    %c0_i32_1 = arith.constant 0 : i32
    return %c0_i32, %c0_i32_0 : i32, i32
  }
  func.func @transform_6(%arg0: i32) -> (i32, i32, i32) {
    %c0_i32 = arith.constant 0 : i32
    %c0_i32_0 = arith.constant 0 : i32
    %c0_i32_1 = arith.constant 0 : i32
    %c0_i32_2 = arith.constant 0 : i32
    return %c0_i32, %c0_i32_0, %c0_i32_1 : i32, i32, i32
  }
  func.func @transform_7(%arg0: i32) -> (i32, i32) {
    %c0_i32 = arith.constant 0 : i32
    %c0_i32_0 = arith.constant 0 : i32
    %c0_i32_1 = arith.constant 0 : i32
    return %c0_i32, %c0_i32_0 : i32, i32
  }
  func.func @transform_8(%arg0: i32) -> (i32, i32) {
    %c0_i32 = arith.constant 0 : i32
    %c0_i32_0 = arith.constant 0 : i32
    %c0_i32_1 = arith.constant 0 : i32
    return %c0_i32, %c0_i32_0 : i32, i32
  }
  func.func @transform_9(%arg0: i32) -> (i32, i32) {
    %c0_i32 = arith.constant 0 : i32
    %c0_i32_0 = arith.constant 0 : i32
    %c0_i32_1 = arith.constant 0 : i32
    return %c0_i32, %c0_i32_0 : i32, i32
  }
  func.func @transform_10(%arg0: i32) -> (i32, i32, i32) {
    %c0_i32 = arith.constant 0 : i32
    %c0_i32_0 = arith.constant 0 : i32
    %c0_i32_1 = arith.constant 0 : i32
    %c0_i32_2 = arith.constant 0 : i32
    return %c0_i32, %c0_i32_0, %c0_i32_1 : i32, i32, i32
  }
  func.func @transform_11(%arg0: i32) -> (i32, i32) {
    %c0_i32 = arith.constant 0 : i32
    %c0_i32_0 = arith.constant 0 : i32
    %c0_i32_1 = arith.constant 0 : i32
    return %c0_i32, %c0_i32_0 : i32, i32
  }
  func.func @transform_12(%arg0: i32) -> (i32, i32, i32) {
    %c0_i32 = arith.constant 0 : i32
    %c0_i32_0 = arith.constant 0 : i32
    %c0_i32_1 = arith.constant 0 : i32
    %c0_i32_2 = arith.constant 0 : i32
    return %c0_i32, %c0_i32_0, %c0_i32_1 : i32, i32, i32
  }
  func.func @transform_13(%arg0: i32) -> (i32, i32) {
    %c0_i32 = arith.constant 0 : i32
    %c0_i32_0 = arith.constant 0 : i32
    %c0_i32_1 = arith.constant 0 : i32
    return %c0_i32, %c0_i32_0 : i32, i32
  }
  func.func @transform_14(%arg0: i32) -> (i32, i32) {
    %c0_i32 = arith.constant 0 : i32
    %c0_i32_0 = arith.constant 0 : i32
    %c0_i32_1 = arith.constant 0 : i32
    return %c0_i32, %c0_i32_0 : i32, i32
  }
  func.func @transform_15(%arg0: i32) -> (i32, i32) {
    %c0_i32 = arith.constant 0 : i32
    %c0_i32_0 = arith.constant 0 : i32
    %c0_i32_1 = arith.constant 0 : i32
    return %c0_i32, %c0_i32_0 : i32, i32
  }
  func.func @transform_16(%arg0: i32) -> (i32, i32) {
    %c0_i32 = arith.constant 0 : i32
    %c0_i32_0 = arith.constant 0 : i32
    %c0_i32_1 = arith.constant 0 : i32
    return %c0_i32, %c0_i32_0 : i32, i32
  }
  func.func @transform_17(%arg0: i32) -> (i32, i32) {
    %c0_i32 = arith.constant 0 : i32
    %c0_i32_0 = arith.constant 0 : i32
    %c0_i32_1 = arith.constant 0 : i32
    return %c0_i32, %c0_i32_0 : i32, i32
  }
}

</mosaic_0001>

<sc_bundles>
// kernel: scatter_offload_async_start
scs
__scs_entry_jumppad:
0x0: {  	(pc) =	sbr.rel $0x88, $3  }
0x1: {  	(tag) =	ssettag $0x0;
	lr =	simm.s32 $0x1  }
0x2: {  	[smem:$0x3F90] =	sst lr;
	_ =	strace $0xD0000000  }
0x3: {  	_ = 	snop  }
0x4: {  	_ = 	snop  }
0x5: {  	_ = 	snop  }
0x6: {  	_ = 	snop  }
0x7: {  	_ = 	snop  }
__scs_overlays_trampoline_lowered:
0x8: {  	[smem:$0x3F9F] =	sst s0  }
0x9: {  	[smem:$0x3FA0] =	sst s1  }
0xa: {  	[smem:$0x3FA1] =	sst s2  }
0xb: {  	[smem:$0x3FA2] =	sst s3  }
0xc: {  	[smem:$0x3FA3] =	sst s4  }
0xd: {  	[smem:$0x3FA4] =	sst s5  }
0xe: {  	[smem:$0x3FA5] =	sst s6  }
0xf: {  	[smem:$0x3FA6] =	sst s7  }
0x10: {  	[smem:$0x3FA7] =	sst s8  }
0x11: {  	[smem:$0x3FA8] =	sst s9;
	s0 =	simm.s32 @!p0 $0x0  }
0x12: {  	s1 =	sld [smem:$0x3F8E];
	s0 =	simm.s32 @p0 $0x1  }
0x13: {  	[smem:$0x3FA9] =	sst s0;
	s0 =	simm.s32 @!p1 $0x0  }
0x14: {  	s2 =	sld [smem:$0x3F8D];
	s0 =	simm.s32 @p1 $0x1  }
0x15: {  	[smem:$0x3FAA] =	sst s0;
	s0 =	simm.s32 @!p2 $0x0  }
0x16: {  	s3 =	sld [smem:$0x3FDB];
	s0 =	simm.s32 @p2 $0x1  }
0x17: {  	s4 =	simm.s32 $0x1BF5;
	[smem:$0x3FAC] =	sst s0  }
0x18: {  	s0 =	sld [smem:$0x3F8F];
	_ =	swait.ge [sflag:s4], $0x0  }
0x19: {  	s7 =	sld [smem:$0x3F90]  }
0x1a: {  	s8 =	sadd.s32 $0xFFFFE003, lr  }
0x1b: {  	s9 =	sadd.s32 $0xFFFFFEF7, lr;
	s5 =	simm.s32 $0xFFFFFFFF;
	p2 =	slt.u32 s8, $0xFFFFF086  }
0x1c: {  	p1 =	slt.u32 s9, $0xF7A;
	s5 =	simm.s32 @!p2 $0x0  }
0x1d: {  	s5 =	simm.s32 @p1 $0x1;
	p0 =	seq.s32 s7, s2  }
0x1e: {  	s7 =	smul.u32 @!p0 $0xF7A, s2;
	p2 =	seq.s32 @!p0 s5, $0x0  }
0x1f: {  	s9 =	smul.u32 $0xF7A, s1;
	s8 =	simm.s32 @!p0 $0x1BF5;
	p2 =	por !p2, p0  }
0x20: {  	[sflag:s8] =	ssyncset.s32 @!p0 $0xFFFFF086;
	s6 =	sadd.s32 @!p0 s3, s7;
	s7 =	simm.s32 @!p0 $0x108  }
0x21: {  	s3 =	sadd.s32 s3, s9;
	s6 =	sadd.s32 @!p0 $0x88, s6;
	s7 =	simm.s32 @p2 $0x1082  }
0x22: {  	[simem:s7], [sflag:s8] =	dma.local @!p0 [hbm:s6], $0xF7A  }
0x23: {  	s9 =	sor.u32 $0xD0000000, s2;
	s6 =	simm.s32 $0x108;
	_ =	swait.ge @!p0 [sflag:s8], $0x0  }
0x24: {  	s3 =	sadd.s32 $0x88, s3;
	s6 =	simm.s32 @!p1 $0x1082;
	[sflag:s4] =	ssyncset.s32 $0xFFFFF086  }
0x25: {  	[simem:s6], [sflag:s4] =	dma.local [hbm:s3], $0xF7A  }
0x26: {  	[smem:$0x3F90] =	sst s1;
	(tag) =	ssettag s2;
	_ =	strace s9  }
0x27: {  	s1 =	sld [smem:$0x3FA0]  }
0x28: {  	s2 =	sld [smem:$0x3FA1]  }
0x29: {  	s4 =	sld [smem:$0x3FA3]  }
0x2a: {  	p0 =	seq.s32 s5, $0x0;
	s5 =	sld [smem:$0x3FA4]  }
0x2b: {  	s6 =	sld [smem:$0x3FA5]  }
0x2c: {  	s7 =	sld [smem:$0x3FA6]  }
0x2d: {  	s3 =	simm.s32 $0x108;
	s8 =	sld [smem:$0x3FA7]  }
0x2e: {  	s3 =	simm.s32 @!p0 $0x1082;
	s9 =	sld [smem:$0x3FA8]  }
0x2f: {  	lr =	sadd.s32 s0, s3;
	s0 =	sld [smem:$0x3F9F]  }
0x30: {  	s3 =	sld [smem:$0x3FA2]  }
0x31: {  	[smem:$0x3FAB] =	sst s10  }
0x32: {  	s10 =	sld [smem:$0x3FA9];
	_ =	sdelay $0x3  }
0x33: {  	p0 =	seq.s32 s10, $0x1;
	s10 =	sld [smem:$0x3FAB];
	_ =	sdelay $0x3  }
0x34: {  	[smem:$0x3FAB] =	sst s10  }
0x35: {  	s10 =	sld [smem:$0x3FAA];
	_ =	sdelay $0x3  }
0x36: {  	p1 =	seq.s32 s10, $0x1;
	s10 =	sld [smem:$0x3FAB];
	_ =	sdelay $0x3  }
0x37: {  	[smem:$0x3FAB] =	sst s10  }
0x38: {  	s10 =	sld [smem:$0x3FAC]  }
0x39: {  	_ = 	snop;
	(pc) =	sbr.ind lr, $3  }
0x3a: {  	_ = 	snop  }
0x3b: {  	_ = 	snop  }
0x3c: {  	p2 =	seq.s32 s10, $0x1;
	s10 =	sld [smem:$0x3FAB]  }
0x3d: {  	_ =	shalt  }
0x3e: {  	_ =	shalt  }
0x3f: {  	_ =	shalt  }
0x40: {  	_ =	shalt  }
0x41: {  	_ =	shalt  }
0x42: {  	_ =	shalt  }
0x43: {  	_ =	shalt  }
0x44: {  	_ =	shalt  }
0x45: {  	_ =	shalt  }
0x46: {  	_ =	shalt  }
0x47: {  	_ =	shalt  }
0x48: {  	_ =	shalt  }
0x49: {  	_ =	shalt  }
0x4a: {  	_ =	shalt  }
0x4b: {  	_ =	shalt  }
0x4c: {  	_ =	shalt  }
0x4d: {  	_ =	shalt  }
0x4e: {  	_ =	shalt  }
0x4f: {  	_ =	shalt  }
0x50: {  	_ =	shalt  }
0x51: {  	_ =	shalt  }
0x52: {  	_ =	shalt  }
0x53: {  	_ =	shalt  }
0x54: {  	_ =	shalt  }
0x55: {  	_ =	shalt  }
0x56: {  	_ =	shalt  }
0x57: {  	_ =	shalt  }
0x58: {  	_ =	shalt  }
0x59: {  	_ =	shalt  }
0x5a: {  	_ =	shalt  }
0x5b: {  	_ =	shalt  }
0x5c: {  	_ =	shalt  }
0x5d: {  	_ =	shalt  }
0x5e: {  	_ =	shalt  }
0x5f: {  	_ =	shalt  }
0x60: {  	_ =	shalt  }
0x61: {  	_ =	shalt  }
0x62: {  	_ =	shalt  }
0x63: {  	_ =	shalt  }
0x64: {  	_ =	shalt  }
0x65: {  	_ =	shalt  }
0x66: {  	_ =	shalt  }
0x67: {  	_ =	shalt  }
0x68: {  	_ =	shalt  }
0x69: {  	_ =	shalt  }
0x6a: {  	_ =	shalt  }
0x6b: {  	_ =	shalt  }
0x6c: {  	_ =	shalt  }
0x6d: {  	_ =	shalt  }
0x6e: {  	_ =	shalt  }
0x6f: {  	_ =	shalt  }
0x70: {  	_ =	shalt  }
0x71: {  	_ =	shalt  }
0x72: {  	_ =	shalt  }
0x73: {  	_ =	shalt  }
0x74: {  	_ =	shalt  }
0x75: {  	_ =	shalt  }
0x76: {  	_ =	shalt  }
0x77: {  	_ =	shalt  }
0x78: {  	_ =	shalt  }
0x79: {  	_ =	shalt  }
0x7a: {  	_ =	shalt  }
0x7b: {  	_ =	shalt  }
0x7c: {  	_ =	shalt  }
0x7d: {  	_ =	shalt  }
0x7e: {  	_ =	shalt  }
0x7f: {  	_ =	shalt  }
0x80: {  	_ =	shalt  }
0x81: {  	_ =	shalt  }
0x82: {  	_ =	shalt  }
0x83: {  	_ =	shalt  }
0x84: {  	_ =	shalt  }
0x85: {  	_ =	shalt  }
0x86: {  	_ =	shalt  }
0x87: {  	_ =	shalt  }
.Lfunc_end0:
.L_simem_size_0:
called_computation_lowered:
.L_overlay_start_0:
0x88: {  	s2 =	sld [smem:$0x3FD9]  }
0x89: {  	s3 =	sld [smem:$0x3FFE];
	_ =	sdelay $0x1  }
0x8a: {  	s1 =	srdreg.scid  }
0x8b: {  	s0 =	sand.u32 $0x1, s1  }
0x8c: {  	s15 =	sshll.u32 s0, $0xA;
	s2 =	sadd.s32 s3, s2  }
0x8d: {  	s2 =	sadd.s32 s2, s15  }
0x8e: {  	[smem:$0x3FB7] =	sst s2  }
0x8f: {  	_ = 	snop  }
0x90: {  	(tm) =	ssettm $0x1  }
0x91: {  	s16 =	sld [smem:$0x3FFB];
	_ =	sdelay $0x3  }
0x92: {  	_ =	strace s16  }
0x93: {  	s2 =	sld [smem:$0x3FFC];
	_ =	sdelay $0x3  }
0x94: {  	_ =	strace s2  }
0x95: {  	s2 =	sld [smem:$0x3FFD];
	_ =	sdelay $0x3  }
0x96: {  	_ =	strace s2  }
0x97: {  	_ =	strace $0x8FFFFFFF  }
0x98: {  	s17 =	sld [smem:$0x3FDB];
	_ =	sdelay $0x1  }
0x99: {  	s18 =	simm.s32 $_scs_section_size  }
0x9a: {  	s4 =	simm.s32 $_size__tile_overlayer_lowered;
	s5 =	simm.s32 $_tile_overlayer_lowered  }
0x9b: {  	s21 =	simm.s32 $0x1BFF;
	s20 =	sshll.u32 s5, $0x1;
	s2 =	sadd.s32 s18, s17  }
0x9c: {  	s6 =	simm.s32 $0x0;
	s19 =	sshll.u32 s4, $0x1;
	s4 =	sadd.s32 s20, s2  }
0x9d: {  	[timem:s6], [sflag:s21] =	dma.local [hbm:s4], s19  }
0x9e: {  	_ =	swait.ge [sflag:s21], s19  }
0x9f: {  	s3 =	ssub.s32 $0x0, s19;
	[sflag:s21] =	ssyncset.done $0x0  }
0xa0: {  	[sflag:s21] =	ssyncadd.s32 s3;
	_ =	sdelay $0x1  }
0xa1: {  	s22 =	simm.s32 $0x1B8B  }
0xa2: {  	_ =	swait.ge [sflag:s22], $0x1  }
0xa3: {  	[sflag:s22] =	ssyncset.done $0x0  }
0xa4: {  	s23 =	sld [smem:$0x3FFE];
	[sflag:s22] =	ssyncadd.s32 $0xFFFFFFFF  }
0xa5: {  	s25 =	simm.s32 $0x1B8E;
	s24 =	sld [smem:$0x0]  }
0xa6: {  	s26 =	simm.s32 $execute0_lowered;
	[smem:$0x3FD2] =	sst s25  }
0xa7: {  	s5 =	sshll.u32 s26, $0x1;
	_ =	strace $0x80000049;
	[dreg:$0x1] =	wrdreg $0xFFFFFFFF  }
0xa8: {  	s28 =	simm.s32 $_size_execute0_lowered;
	s2 =	sadd.s32 s2, s5;
	[dreg:$0x0] =	wrdreg $0x0  }
0xa9: {  	s5 =	sshll.u32 s28, $0x1;
	[dreg:$0x2] =	wrdreg s2  }
0xaa: {  	[dreg:$0x3] =	wrdreg s5  }
0xab: {  	[dreg:$0x4] =	wrdreg $0xC0  }
0xac: {  	_ =	task [dreg:s6], $0x5FFFF  }
0xad: {  	[dreg:$0x1] =	wrdreg $0xFFFFFFFF  }
0xae: {  	[dreg:$0x0] =	wrdreg $0x60  }
0xaf: {  	[dreg:$0x2] =	wrdreg s23  }
0xb0: {  	[dreg:$0x3] =	wrdreg s1  }
0xb1: {  	[dreg:$0x4] =	wrdreg s24  }
0xb2: {  	[dreg:$0x5] =	wrdreg $0x9  }
0xb3: {  	_ =	task.clear_ibuf [dreg:s6], $0x6FFFF;
	_ =	strace $0x90000049  }
0xb4: {  	s29 =	simm.s32 $0x9;
	_ =	strace $0x8000004B  }
0xb5: {  	_ =	swait.ge [sflag:s29], $0x1  }
0xb6: {  	[sflag:s29] =	ssyncadd.s32 $0xFFFFFFFF  }
0xb7: {  	_ =	strace $0x9000004B  }
0xb8: {  	_ =	sfence  }
0xb9: {  	s30 =	sld [smem:$0x0];
	_ =	sdelay $0x2  }
0xba: {  	s31 =	sshll.u32 s1, $0xD;
	s1 =	sshrl.u32 s1, $0x2  }
0xbb: {  	s3 =	sand.u32 $0x4000, s31;
	s1 =	sadd.s32 s1, s30  }
0xbc: {  	s0 =	sor.u32 s3, s0;
	s1 =	sshll.u32 s1, $0x11  }
0xbd: {  	s0 =	sor.u32 s1, s0  }
0xbe: {  	s0 =	sadd.s32 $0x8F2B, s0  }
0xbf: {  	[sflag:s0] =	ssyncadd.remote.s32 $0x1  }
0xc0: {  	_ =	sfence.sel $0xFFFF  }
0xc1: {  	[dreg:$0x0] =	wrdreg $0xFFFFFFFF;
	(pc) =	sbr.abs _section_cstart, $3  }
0xc2: {  	[dreg:$0x1] =	wrdreg $0xFFFFFFFF  }
0xc3: {  	_ =	task.clear_ibuf [dreg:s6], $0x2FFFF;
	_ =	strace $0x9FFFFFFF  }
0xc4: {  	(tm) =	ssettm $0x7FFFFFFF  }
0xc5: {  	_ =	shalt  }
tec
execute0_lowered:
.L_overlay_start_1:
0x0: {  	(tag) =	ssettag $0x1  }
0x1: {  	s11 =	rddreg [dreg:$0x0]  }
0x2: {  	s2 =	rddreg [dreg:$0x1];
	_ =	strace $0x8000004A;
	s12 =	simm.s32 $0x1  }
0x3: {  	v0 =	vimm.s32 $0x0;
	[sflag:s12] =	ssyncpa.u1 $0x0  }
0x4: {  	[tilespmem:$0x28] =	vst v0  }
0x5: {  	[tilespmem:$0x38] =	vst v0  }
0x6: {  	[tilespmem:$0x48] =	vst v0  }
0x7: {  	[tilespmem:$0x58] =	vst v0  }
0x8: {  	[tilespmem:$0x68] =	vst v0  }
0x9: {  	[tilespmem:$0x78] =	vst v0  }
0xa: {  	[tilespmem:$0x88] =	vst v0  }
0xb: {  	[tilespmem:$0x98] =	vst v0  }
0xc: {  	[tilespmem:$0xA8] =	vst v0  }
0xd: {  	[tilespmem:$0xB8] =	vst v0  }
0xe: {  	[tilespmem:$0xC8] =	vst v0  }
0xf: {  	[tilespmem:$0xD8] =	vst v0  }
0x10: {  	[tilespmem:$0xE8] =	vst v0  }
0x11: {  	[tilespmem:$0xF8] =	vst v0  }
0x12: {  	[tilespmem:$0x108] =	vst v0  }
0x13: {  	[tilespmem:$0x118] =	vst v0  }
0x14: {  	[tilespmem:$0x128] =	vst v0  }
0x15: {  	[tilespmem:$0x138] =	vst v0  }
0x16: {  	[tilespmem:$0x148] =	vst v0  }
0x17: {  	[tilespmem:$0x158] =	vst v0  }
0x18: {  	[tilespmem:$0x168] =	vst v0  }
0x19: {  	[tilespmem:$0x178] =	vst v0  }
0x1a: {  	[tilespmem:$0x188] =	vst v0  }
0x1b: {  	[tilespmem:$0x198] =	vst v0  }
0x1c: {  	[tilespmem:$0x1A8] =	vst v0  }
0x1d: {  	[tilespmem:$0x1B8] =	vst v0  }
0x1e: {  	[tilespmem:$0x1C8] =	vst v0  }
0x1f: {  	[tilespmem:$0x1D8] =	vst v0  }
0x20: {  	[tilespmem:$0x1E8] =	vst v0  }
0x21: {  	[tilespmem:$0x1F8] =	vst v0  }
0x22: {  	[tilespmem:$0x208] =	vst v0  }
0x23: {  	[tilespmem:$0x218] =	vst v0  }
0x24: {  	[tilespmem:$0x228] =	vst v0  }
0x25: {  	[tilespmem:$0x238] =	vst v0  }
0x26: {  	[tilespmem:$0x248] =	vst v0  }
0x27: {  	[tilespmem:$0x258] =	vst v0  }
0x28: {  	[tilespmem:$0x268] =	vst v0  }
0x29: {  	[tilespmem:$0x278] =	vst v0  }
0x2a: {  	[tilespmem:$0x288] =	vst v0  }
0x2b: {  	[tilespmem:$0x298] =	vst v0  }
0x2c: {  	[tilespmem:$0x2A8] =	vst v0  }
0x2d: {  	[tilespmem:$0x2B8] =	vst v0  }
0x2e: {  	[tilespmem:$0x2C8] =	vst v0  }
0x2f: {  	[tilespmem:$0x2D8] =	vst v0  }
0x30: {  	[tilespmem:$0x2E8] =	vst v0  }
0x31: {  	[tilespmem:$0x2F8] =	vst v0  }
0x32: {  	[tilespmem:$0x308] =	vst v0  }
0x33: {  	[tilespmem:$0x318] =	vst v0  }
0x34: {  	[tilespmem:$0x328] =	vst v0  }
0x35: {  	[tilespmem:$0x338] =	vst v0  }
0x36: {  	[tilespmem:$0x348] =	vst v0  }
0x37: {  	[tilespmem:$0x358] =	vst v0  }
0x38: {  	[tilespmem:$0x368] =	vst v0  }
0x39: {  	[tilespmem:$0x378] =	vst v0  }
0x3a: {  	[tilespmem:$0x388] =	vst v0  }
0x3b: {  	[tilespmem:$0x398] =	vst v0  }
0x3c: {  	[tilespmem:$0x3A8] =	vst v0  }
0x3d: {  	[tilespmem:$0x3B8] =	vst v0  }
0x3e: {  	[tilespmem:$0x3C8] =	vst v0  }
0x3f: {  	[tilespmem:$0x3D8] =	vst v0  }
0x40: {  	[tilespmem:$0x3E8] =	vst v0  }
0x41: {  	[tilespmem:$0x3F8] =	vst v0  }
0x42: {  	[tilespmem:$0x408] =	vst v0  }
0x43: {  	[tilespmem:$0x418] =	vst v0  }
0x44: {  	[tilespmem:$0x428] =	vst v0  }
0x45: {  	[tilespmem:$0x438] =	vst v0  }
0x46: {  	[tilespmem:$0x448] =	vst v0  }
0x47: {  	[tilespmem:$0x458] =	vst v0  }
0x48: {  	[tilespmem:$0x468] =	vst v0  }
0x49: {  	[tilespmem:$0x478] =	vst v0  }
0x4a: {  	[tilespmem:$0x488] =	vst v0  }
0x4b: {  	[tilespmem:$0x498] =	vst v0  }
0x4c: {  	[tilespmem:$0x4A8] =	vst v0  }
0x4d: {  	[tilespmem:$0x4B8] =	vst v0  }
0x4e: {  	[tilespmem:$0x4C8] =	vst v0  }
0x4f: {  	[tilespmem:$0x4D8] =	vst v0  }
0x50: {  	[tilespmem:$0x4E8] =	vst v0  }
0x51: {  	[tilespmem:$0x4F8] =	vst v0  }
0x52: {  	[tilespmem:$0x508] =	vst v0  }
0x53: {  	[tilespmem:$0x518] =	vst v0  }
0x54: {  	[tilespmem:$0x528] =	vst v0  }
0x55: {  	[tilespmem:$0x538] =	vst v0  }
0x56: {  	[tilespmem:$0x548] =	vst v0  }
0x57: {  	[tilespmem:$0x558] =	vst v0  }
0x58: {  	[tilespmem:$0x568] =	vst v0  }
0x59: {  	[tilespmem:$0x578] =	vst v0  }
0x5a: {  	[tilespmem:$0x588] =	vst v0  }
0x5b: {  	[tilespmem:$0x598] =	vst v0  }
0x5c: {  	[tilespmem:$0x5A8] =	vst v0  }
0x5d: {  	[tilespmem:$0x5B8] =	vst v0  }
0x5e: {  	[tilespmem:$0x5C8] =	vst v0  }
0x5f: {  	[tilespmem:$0x5D8] =	vst v0  }
0x60: {  	[tilespmem:$0x5E8] =	vst v0  }
0x61: {  	[tilespmem:$0x5F8] =	vst v0  }
0x62: {  	[tilespmem:$0x608] =	vst v0  }
0x63: {  	[tilespmem:$0x618] =	vst v0  }
0x64: {  	[tilespmem:$0x628] =	vst v0  }
0x65: {  	[tilespmem:$0x638] =	vst v0  }
0x66: {  	[tilespmem:$0x648] =	vst v0  }
0x67: {  	[tilespmem:$0x658] =	vst v0  }
0x68: {  	[tilespmem:$0x668] =	vst v0  }
0x69: {  	[tilespmem:$0x678] =	vst v0  }
0x6a: {  	[tilespmem:$0x688] =	vst v0  }
0x6b: {  	[tilespmem:$0x698] =	vst v0  }
0x6c: {  	[tilespmem:$0x6A8] =	vst v0  }
0x6d: {  	[tilespmem:$0x6B8] =	vst v0  }
0x6e: {  	[tilespmem:$0x6C8] =	vst v0  }
0x6f: {  	[tilespmem:$0x6D8] =	vst v0  }
0x70: {  	[tilespmem:$0x6E8] =	vst v0  }
0x71: {  	[tilespmem:$0x6F8] =	vst v0  }
0x72: {  	[tilespmem:$0x708] =	vst v0  }
0x73: {  	[tilespmem:$0x718] =	vst v0  }
0x74: {  	[tilespmem:$0x728] =	vst v0  }
0x75: {  	[tilespmem:$0x738] =	vst v0  }
0x76: {  	[tilespmem:$0x748] =	vst v0  }
0x77: {  	[tilespmem:$0x758] =	vst v0  }
0x78: {  	[tilespmem:$0x768] =	vst v0  }
0x79: {  	[tilespmem:$0x778] =	vst v0  }
0x7a: {  	[tilespmem:$0x788] =	vst v0  }
0x7b: {  	[tilespmem:$0x798] =	vst v0  }
0x7c: {  	[tilespmem:$0x7A8] =	vst v0  }
0x7d: {  	[tilespmem:$0x7B8] =	vst v0  }
0x7e: {  	[tilespmem:$0x7C8] =	vst v0  }
0x7f: {  	[tilespmem:$0x7D8] =	vst v0  }
0x80: {  	[tilespmem:$0x7E8] =	vst v0  }
0x81: {  	[tilespmem:$0x7F8] =	vst v0  }
0x82: {  	[tilespmem:$0x808] =	vst v0  }
0x83: {  	[tilespmem:$0x818] =	vst v0  }
0x84: {  	[tilespmem:$0x828] =	vst v0  }
0x85: {  	[tilespmem:$0x838] =	vst v0  }
0x86: {  	[tilespmem:$0x848] =	vst v0  }
0x87: {  	[tilespmem:$0x858] =	vst v0  }
0x88: {  	[tilespmem:$0x868] =	vst v0  }
0x89: {  	[tilespmem:$0x878] =	vst v0  }
0x8a: {  	[tilespmem:$0x888] =	vst v0  }
0x8b: {  	[tilespmem:$0x898] =	vst v0  }
0x8c: {  	[tilespmem:$0x8A8] =	vst v0  }
0x8d: {  	[tilespmem:$0x8B8] =	vst v0  }
0x8e: {  	[tilespmem:$0x8C8] =	vst v0  }
0x8f: {  	[tilespmem:$0x8D8] =	vst v0  }
0x90: {  	[tilespmem:$0x8E8] =	vst v0  }
0x91: {  	[tilespmem:$0x8F8] =	vst v0  }
0x92: {  	[tilespmem:$0x908] =	vst v0  }
0x93: {  	[tilespmem:$0x918] =	vst v0  }
0x94: {  	[tilespmem:$0x928] =	vst v0  }
0x95: {  	[tilespmem:$0x938] =	vst v0  }
0x96: {  	[tilespmem:$0x948] =	vst v0  }
0x97: {  	[tilespmem:$0x958] =	vst v0  }
0x98: {  	[tilespmem:$0x968] =	vst v0  }
0x99: {  	[tilespmem:$0x978] =	vst v0  }
0x9a: {  	[tilespmem:$0x988] =	vst v0  }
0x9b: {  	[tilespmem:$0x998] =	vst v0  }
0x9c: {  	[tilespmem:$0x9A8] =	vst v0  }
0x9d: {  	[tilespmem:$0x9B8] =	vst v0  }
0x9e: {  	[tilespmem:$0x9C8] =	vst v0  }
0x9f: {  	[tilespmem:$0x9D8] =	vst v0  }
0xa0: {  	[tilespmem:$0x9E8] =	vst v0  }
0xa1: {  	[tilespmem:$0x9F8] =	vst v0  }
0xa2: {  	[tilespmem:$0xA08] =	vst v0  }
0xa3: {  	[tilespmem:$0xA18] =	vst v0  }
0xa4: {  	[tilespmem:$0xA28] =	vst v0  }
0xa5: {  	[tilespmem:$0xA38] =	vst v0  }
0xa6: {  	[tilespmem:$0xA48] =	vst v0  }
0xa7: {  	[tilespmem:$0xA58] =	vst v0  }
0xa8: {  	[tilespmem:$0xA68] =	vst v0  }
0xa9: {  	[tilespmem:$0xA78] =	vst v0  }
0xaa: {  	[tilespmem:$0xA88] =	vst v0  }
0xab: {  	[tilespmem:$0xA98] =	vst v0  }
0xac: {  	[tilespmem:$0xAA8] =	vst v0  }
0xad: {  	[tilespmem:$0xAB8] =	vst v0  }
0xae: {  	[tilespmem:$0xAC8] =	vst v0  }
0xaf: {  	[tilespmem:$0xAD8] =	vst v0  }
0xb0: {  	[tilespmem:$0xAE8] =	vst v0  }
0xb1: {  	[tilespmem:$0xAF8] =	vst v0  }
0xb2: {  	[tilespmem:$0xB08] =	vst v0  }
0xb3: {  	[tilespmem:$0xB18] =	vst v0  }
0xb4: {  	[tilespmem:$0xB28] =	vst v0  }
0xb5: {  	[tilespmem:$0xB38] =	vst v0  }
0xb6: {  	[tilespmem:$0xB48] =	vst v0  }
0xb7: {  	[tilespmem:$0xB58] =	vst v0  }
0xb8: {  	[tilespmem:$0xB68] =	vst v0  }
0xb9: {  	[tilespmem:$0xB78] =	vst v0  }
0xba: {  	[tilespmem:$0xB88] =	vst v0  }
0xbb: {  	[tilespmem:$0xB98] =	vst v0  }
0xbc: {  	[tilespmem:$0xBA8] =	vst v0  }
0xbd: {  	[tilespmem:$0xBB8] =	vst v0  }
0xbe: {  	[tilespmem:$0xBC8] =	vst v0  }
0xbf: {  	[tilespmem:$0xBD8] =	vst v0  }
0xc0: {  	[tilespmem:$0xBE8] =	vst v0  }
0xc1: {  	[tilespmem:$0xBF8] =	vst v0  }
0xc2: {  	[tilespmem:$0xC08] =	vst v0  }
0xc3: {  	[tilespmem:$0xC18] =	vst v0  }
0xc4: {  	[tilespmem:$0xC28] =	vst v0  }
0xc5: {  	[tilespmem:$0xC38] =	vst v0  }
0xc6: {  	[tilespmem:$0xC48] =	vst v0  }
0xc7: {  	[tilespmem:$0xC58] =	vst v0  }
0xc8: {  	[tilespmem:$0xC68] =	vst v0  }
0xc9: {  	[tilespmem:$0xC78] =	vst v0  }
0xca: {  	[tilespmem:$0xC88] =	vst v0  }
0xcb: {  	[tilespmem:$0xC98] =	vst v0  }
0xcc: {  	[tilespmem:$0xCA8] =	vst v0  }
0xcd: {  	[tilespmem:$0xCB8] =	vst v0  }
0xce: {  	[tilespmem:$0xCC8] =	vst v0  }
0xcf: {  	[tilespmem:$0xCD8] =	vst v0  }
0xd0: {  	[tilespmem:$0xCE8] =	vst v0  }
0xd1: {  	[tilespmem:$0xCF8] =	vst v0  }
0xd2: {  	[tilespmem:$0xD08] =	vst v0  }
0xd3: {  	[tilespmem:$0xD18] =	vst v0  }
0xd4: {  	[tilespmem:$0xD28] =	vst v0  }
0xd5: {  	[tilespmem:$0xD38] =	vst v0  }
0xd6: {  	[tilespmem:$0xD48] =	vst v0  }
0xd7: {  	[tilespmem:$0xD58] =	vst v0  }
0xd8: {  	[tilespmem:$0xD68] =	vst v0  }
0xd9: {  	[tilespmem:$0xD78] =	vst v0  }
0xda: {  	[tilespmem:$0xD88] =	vst v0  }
0xdb: {  	[tilespmem:$0xD98] =	vst v0  }
0xdc: {  	[tilespmem:$0xDA8] =	vst v0  }
0xdd: {  	[tilespmem:$0xDB8] =	vst v0  }
0xde: {  	[tilespmem:$0xDC8] =	vst v0  }
0xdf: {  	[tilespmem:$0xDD8] =	vst v0  }
0xe0: {  	[tilespmem:$0xDE8] =	vst v0  }
0xe1: {  	[tilespmem:$0xDF8] =	vst v0  }
0xe2: {  	[tilespmem:$0xE08] =	vst v0  }
0xe3: {  	[tilespmem:$0xE18] =	vst v0  }
0xe4: {  	[tilespmem:$0xE28] =	vst v0  }
0xe5: {  	[tilespmem:$0xE38] =	vst v0  }
0xe6: {  	[tilespmem:$0xE48] =	vst v0  }
0xe7: {  	[tilespmem:$0xE58] =	vst v0  }
0xe8: {  	[tilespmem:$0xE68] =	vst v0  }
0xe9: {  	[tilespmem:$0xE78] =	vst v0  }
0xea: {  	[tilespmem:$0xE88] =	vst v0  }
0xeb: {  	[tilespmem:$0xE98] =	vst v0  }
0xec: {  	[tilespmem:$0xEA8] =	vst v0  }
0xed: {  	[tilespmem:$0xEB8] =	vst v0  }
0xee: {  	[tilespmem:$0xEC8] =	vst v0  }
0xef: {  	[tilespmem:$0xED8] =	vst v0  }
0xf0: {  	[tilespmem:$0xEE8] =	vst v0  }
0xf1: {  	[tilespmem:$0xEF8] =	vst v0  }
0xf2: {  	[tilespmem:$0xF08] =	vst v0  }
0xf3: {  	[tilespmem:$0xF18] =	vst v0  }
0xf4: {  	[tilespmem:$0xF28] =	vst v0  }
0xf5: {  	[tilespmem:$0xF38] =	vst v0  }
0xf6: {  	[tilespmem:$0xF48] =	vst v0  }
0xf7: {  	[tilespmem:$0xF58] =	vst v0  }
0xf8: {  	[tilespmem:$0xF68] =	vst v0  }
0xf9: {  	[tilespmem:$0xF78] =	vst v0  }
0xfa: {  	[tilespmem:$0xF88] =	vst v0  }
0xfb: {  	[tilespmem:$0xF98] =	vst v0  }
0xfc: {  	[tilespmem:$0xFA8] =	vst v0  }
0xfd: {  	[tilespmem:$0xFB8] =	vst v0  }
0xfe: {  	[tilespmem:$0xFC8] =	vst v0  }
0xff: {  	[tilespmem:$0xFD8] =	vst v0  }
0x100: {  	[tilespmem:$0xFE8] =	vst v0  }
0x101: {  	[tilespmem:$0xFF8] =	vst v0  }
0x102: {  	[tilespmem:$0x1028] =	vst v0  }
0x103: {  	[tilespmem:$0x10E8] =	vst v0  }
0x104: {  	[tilespmem:$0x1068] =	vst v0  }
0x105: {  	[tilespmem:$0x1B28] =	vst v0  }
0x106: {  	[tilespmem:$0x1B18] =	vst v0  }
0x107: {  	[tilespmem:$0x1B08] =	vst v0  }
0x108: {  	[tilespmem:$0x1AF8] =	vst v0  }
0x109: {  	[tilespmem:$0x1AE8] =	vst v0  }
0x10a: {  	[tilespmem:$0x1AD8] =	vst v0  }
0x10b: {  	[tilespmem:$0x1AC8] =	vst v0  }
0x10c: {  	[tilespmem:$0x1AB8] =	vst v0  }
0x10d: {  	[tilespmem:$0x1AA8] =	vst v0  }
0x10e: {  	[tilespmem:$0x1A98] =	vst v0  }
0x10f: {  	[tilespmem:$0x1A88] =	vst v0  }
0x110: {  	[tilespmem:$0x1A78] =	vst v0  }
0x111: {  	[tilespmem:$0x1A68] =	vst v0  }
0x112: {  	[tilespmem:$0x1A58] =	vst v0  }
0x113: {  	[tilespmem:$0x1A48] =	vst v0  }
0x114: {  	[tilespmem:$0x1A38] =	vst v0  }
0x115: {  	[tilespmem:$0x1A28] =	vst v0  }
0x116: {  	[tilespmem:$0x1A18] =	vst v0  }
0x117: {  	[tilespmem:$0x1A08] =	vst v0  }
0x118: {  	[tilespmem:$0x19F8] =	vst v0  }
0x119: {  	[tilespmem:$0x19E8] =	vst v0  }
0x11a: {  	[tilespmem:$0x19D8] =	vst v0  }
0x11b: {  	[tilespmem:$0x19C8] =	vst v0  }
0x11c: {  	[tilespmem:$0x19B8] =	vst v0  }
0x11d: {  	[tilespmem:$0x19A8] =	vst v0  }
0x11e: {  	[tilespmem:$0x1998] =	vst v0  }
0x11f: {  	[tilespmem:$0x1988] =	vst v0  }
0x120: {  	[tilespmem:$0x1978] =	vst v0  }
0x121: {  	[tilespmem:$0x1968] =	vst v0  }
0x122: {  	[tilespmem:$0x1958] =	vst v0  }
0x123: {  	[tilespmem:$0x1948] =	vst v0  }
0x124: {  	[tilespmem:$0x1938] =	vst v0  }
0x125: {  	[tilespmem:$0x1928] =	vst v0  }
0x126: {  	[tilespmem:$0x1918] =	vst v0  }
0x127: {  	[tilespmem:$0x1908] =	vst v0  }
0x128: {  	[tilespmem:$0x18F8] =	vst v0  }
0x129: {  	[tilespmem:$0x18E8] =	vst v0  }
0x12a: {  	[tilespmem:$0x18D8] =	vst v0  }
0x12b: {  	[tilespmem:$0x18C8] =	vst v0  }
0x12c: {  	[tilespmem:$0x18B8] =	vst v0  }
0x12d: {  	[tilespmem:$0x18A8] =	vst v0  }
0x12e: {  	[tilespmem:$0x1898] =	vst v0  }
0x12f: {  	[tilespmem:$0x1888] =	vst v0  }
0x130: {  	[tilespmem:$0x1878] =	vst v0  }
0x131: {  	[tilespmem:$0x1868] =	vst v0  }
0x132: {  	[tilespmem:$0x1858] =	vst v0  }
0x133: {  	[tilespmem:$0x1848] =	vst v0  }
0x134: {  	[tilespmem:$0x1838] =	vst v0  }
0x135: {  	[tilespmem:$0x1828] =	vst v0  }
0x136: {  	[tilespmem:$0x1818] =	vst v0  }
0x137: {  	[tilespmem:$0x1808] =	vst v0  }
0x138: {  	[tilespmem:$0x17F8] =	vst v0  }
0x139: {  	[tilespmem:$0x17E8] =	vst v0  }
0x13a: {  	[tilespmem:$0x17D8] =	vst v0  }
0x13b: {  	[tilespmem:$0x17C8] =	vst v0  }
0x13c: {  	[tilespmem:$0x17B8] =	vst v0  }
0x13d: {  	[tilespmem:$0x17A8] =	vst v0  }
0x13e: {  	[tilespmem:$0x1798] =	vst v0  }
0x13f: {  	[tilespmem:$0x1788] =	vst v0  }
0x140: {  	[tilespmem:$0x1778] =	vst v0  }
0x141: {  	[tilespmem:$0x1768] =	vst v0  }
0x142: {  	[tilespmem:$0x1758] =	vst v0  }
0x143: {  	[tilespmem:$0x1748] =	vst v0  }
0x144: {  	[tilespmem:$0x1738] =	vst v0  }
0x145: {  	[tilespmem:$0x1728] =	vst v0  }
0x146: {  	[tilespmem:$0x1718] =	vst v0  }
0x147: {  	[tilespmem:$0x1708] =	vst v0  }
0x148: {  	[tilespmem:$0x16F8] =	vst v0  }
0x149: {  	[tilespmem:$0x16E8] =	vst v0  }
0x14a: {  	[tilespmem:$0x16D8] =	vst v0  }
0x14b: {  	[tilespmem:$0x16C8] =	vst v0  }
0x14c: {  	[tilespmem:$0x16B8] =	vst v0  }
0x14d: {  	[tilespmem:$0x16A8] =	vst v0  }
0x14e: {  	[tilespmem:$0x1698] =	vst v0  }
0x14f: {  	[tilespmem:$0x1688] =	vst v0  }
0x150: {  	[tilespmem:$0x1678] =	vst v0  }
0x151: {  	[tilespmem:$0x1668] =	vst v0  }
0x152: {  	[tilespmem:$0x1658] =	vst v0  }
0x153: {  	[tilespmem:$0x1648] =	vst v0  }
0x154: {  	[tilespmem:$0x1638] =	vst v0  }
0x155: {  	[tilespmem:$0x1628] =	vst v0  }
0x156: {  	[tilespmem:$0x1618] =	vst v0  }
0x157: {  	[tilespmem:$0x1608] =	vst v0  }
0x158: {  	[tilespmem:$0x15F8] =	vst v0  }
0x159: {  	[tilespmem:$0x15E8] =	vst v0  }
0x15a: {  	[tilespmem:$0x15D8] =	vst v0  }
0x15b: {  	[tilespmem:$0x15C8] =	vst v0  }
0x15c: {  	[tilespmem:$0x15B8] =	vst v0  }
0x15d: {  	[tilespmem:$0x15A8] =	vst v0  }
0x15e: {  	[tilespmem:$0x1598] =	vst v0  }
0x15f: {  	[tilespmem:$0x1588] =	vst v0  }
0x160: {  	[tilespmem:$0x1578] =	vst v0  }
0x161: {  	[tilespmem:$0x1568] =	vst v0  }
0x162: {  	[tilespmem:$0x1558] =	vst v0  }
0x163: {  	[tilespmem:$0x1548] =	vst v0  }
0x164: {  	[tilespmem:$0x1538] =	vst v0  }
0x165: {  	[tilespmem:$0x1528] =	vst v0  }
0x166: {  	[tilespmem:$0x1518] =	vst v0  }
0x167: {  	[tilespmem:$0x1508] =	vst v0  }
0x168: {  	[tilespmem:$0x14F8] =	vst v0  }
0x169: {  	[tilespmem:$0x14E8] =	vst v0  }
0x16a: {  	[tilespmem:$0x14D8] =	vst v0  }
0x16b: {  	[tilespmem:$0x14C8] =	vst v0  }
0x16c: {  	[tilespmem:$0x14B8] =	vst v0  }
0x16d: {  	[tilespmem:$0x14A8] =	vst v0  }
0x16e: {  	[tilespmem:$0x1498] =	vst v0  }
0x16f: {  	[tilespmem:$0x1488] =	vst v0  }
0x170: {  	[tilespmem:$0x1478] =	vst v0  }
0x171: {  	[tilespmem:$0x1468] =	vst v0  }
0x172: {  	[tilespmem:$0x1458] =	vst v0  }
0x173: {  	[tilespmem:$0x1448] =	vst v0  }
0x174: {  	[tilespmem:$0x1438] =	vst v0  }
0x175: {  	[tilespmem:$0x1428] =	vst v0  }
0x176: {  	[tilespmem:$0x1418] =	vst v0  }
0x177: {  	[tilespmem:$0x1408] =	vst v0  }
0x178: {  	[tilespmem:$0x13F8] =	vst v0  }
0x179: {  	[tilespmem:$0x13E8] =	vst v0  }
0x17a: {  	[tilespmem:$0x13D8] =	vst v0  }
0x17b: {  	[tilespmem:$0x13C8] =	vst v0  }
0x17c: {  	[tilespmem:$0x13B8] =	vst v0  }
0x17d: {  	[tilespmem:$0x13A8] =	vst v0  }
0x17e: {  	[tilespmem:$0x1398] =	vst v0  }
0x17f: {  	[tilespmem:$0x1388] =	vst v0  }
0x180: {  	[tilespmem:$0x1378] =	vst v0  }
0x181: {  	[tilespmem:$0x1368] =	vst v0  }
0x182: {  	[tilespmem:$0x1358] =	vst v0  }
0x183: {  	[tilespmem:$0x1348] =	vst v0  }
0x184: {  	[tilespmem:$0x1338] =	vst v0  }
0x185: {  	[tilespmem:$0x1328] =	vst v0  }
0x186: {  	[tilespmem:$0x1318] =	vst v0  }
0x187: {  	[tilespmem:$0x1308] =	vst v0  }
0x188: {  	[tilespmem:$0x12F8] =	vst v0  }
0x189: {  	[tilespmem:$0x12E8] =	vst v0  }
0x18a: {  	[tilespmem:$0x12D8] =	vst v0  }
0x18b: {  	[tilespmem:$0x12C8] =	vst v0  }
0x18c: {  	[tilespmem:$0x12B8] =	vst v0  }
0x18d: {  	[tilespmem:$0x12A8] =	vst v0  }
0x18e: {  	[tilespmem:$0x1298] =	vst v0  }
0x18f: {  	[tilespmem:$0x1288] =	vst v0  }
0x190: {  	[tilespmem:$0x1278] =	vst v0  }
0x191: {  	[tilespmem:$0x1268] =	vst v0  }
0x192: {  	[tilespmem:$0x1258] =	vst v0  }
0x193: {  	[tilespmem:$0x1248] =	vst v0  }
0x194: {  	[tilespmem:$0x1238] =	vst v0  }
0x195: {  	[tilespmem:$0x1228] =	vst v0  }
0x196: {  	[tilespmem:$0x1218] =	vst v0  }
0x197: {  	[tilespmem:$0x1208] =	vst v0  }
0x198: {  	[tilespmem:$0x11F8] =	vst v0  }
0x199: {  	[tilespmem:$0x11E8] =	vst v0  }
0x19a: {  	[tilespmem:$0x11D8] =	vst v0  }
0x19b: {  	[tilespmem:$0x11C8] =	vst v0  }
0x19c: {  	[tilespmem:$0x11B8] =	vst v0  }
0x19d: {  	[tilespmem:$0x11A8] =	vst v0  }
0x19e: {  	[tilespmem:$0x1198] =	vst v0  }
0x19f: {  	[tilespmem:$0x1188] =	vst v0  }
0x1a0: {  	[tilespmem:$0x1178] =	vst v0  }
0x1a1: {  	[tilespmem:$0x1168] =	vst v0  }
0x1a2: {  	[tilespmem:$0x1158] =	vst v0  }
0x1a3: {  	[tilespmem:$0x1148] =	vst v0  }
0x1a4: {  	[tilespmem:$0x1138] =	vst v0  }
0x1a5: {  	[tilespmem:$0x1128] =	vst v0  }
0x1a6: {  	[tilespmem:$0x1118] =	vst v0  }
0x1a7: {  	s4 =	stileid.u32;
	[tilespmem:$0x1108] =	vst v0  }
0x1a8: {  	s0 =	smul.u32 $0xE7, s4;
	[tilespmem:$0x10F8] =	vst v0  }
0x1a9: {  	s1 =	smin.u32 s4, $0x8;
	[tilespmem:$0x10C8] =	vst v0  }
0x1aa: {  	[tilespmem:$0x10D8] =	vst v0;
	s0 =	sadd.s32 s1, s0  }
0x1ab: {  	p0 =	slt.u32 s4, $0x8;
	[tilespmem:$0x10B8] =	vst v0;
	s1 =	simm.s32 $0x18780;
	s6 =	smul.u32 $0x1B0, s0  }
0x1ac: {  	s1 =	simm.s32 @!p0 $0x185D0;
	[tilespmem:$0x1038] =	vst v0  }
0x1ad: {  	[tilespmem:$0x10A8] =	vst v0;
	s0 =	sadd.s32 s1, s6  }
0x1ae: {  	s3 =	simm.s32 $0x2;
	s8 =	simm.s32 $0x9;
	[tilespmem:$0x1098] =	vst v0;
	s7 =	smin.u32 s0, $0x186A00  }
0x1af: {  	s10 =	simm.s32 $0xA;
	s30 =	simm.s32 $0xB;
	[tilespmem:$0x1088] =	vst v0;
	s0 =	ssub.s32 s7, s6  }
0x1b0: {  	s16 =	simm.s32 $0x0;
	p4 =	por $0x0, $0x0;
	[tilespmem:$0x1078] =	vst v0;
	p0 =	sgt.s32 s0, $0x0  }
0x1b1: {  	s17 =	simm.s32 $0xC;
	s21 =	simm.s32 $0x0;
	[tilespmem:$0x1058] =	vst v0;
	s0 =	simm.s32 @!p0 $0x0  }
0x1b2: {  	s18 =	simm.s32 $0x0;
	s2 =	sand.u32 $0x1, s2;
	[tilespmem:$0x1048] =	vst v0;
	s29 =	smulhi.u32 $0x4BDA12F7, s0  }
0x1b3: {  	s20 =	simm.s32 $0x0;
	s31 =	sshll.u32 s4, $0x5;
	[tilespmem:$0x1018] =	vst v0;
	[dreg:$0x5] =	wrdreg s2  }
0x1b4: {  	s2 =	smul.u32 $0x30D40, s2;
	[tilespmem:$0x1008] =	vst v0;
	[sflag:s3] =	ssyncpa.u1 $0x0;
	s1 =	sshrl.u32 s29, $0x7  }
0x1b5: {  	v0 =	vimm.s32 $0xFFFFFFFF;
	s3 =	sadd.s32 $0x35CBC00, s11;
	[dreg:$0x4] =	wrdreg s31;
	s5 =	smul.u32 $0x1B0, s1  }
.Ltmp0:
0x1b6: {  	[tilespmem:$0x3648] =	vst v0;
	[sflag:s8] =	ssyncpa.u1 $0x0;
	s2 =	sadd.s32 s2, s11;
	(pc) =	sbr.rel .LBB2_1-.Ltmp0, $4  }
0x1b7: {  	[sflag:s10] =	ssyncpa.u1 $0x0;
	s11 =	sadd.s32 $0x4F7C00, s11;
	p0 =	sne.s32 s0, s5  }
0x1b8: {  	[sflag:s30] =	ssyncpa.u1 $0x0;
	s14 =	sadd.s32 $0x63E00, s2;
	s12 =	simm.s32 @!p0 $0x0  }
0x1b9: {  	s15 =	sadd.s32 $0x2200, s2;
	s19 =	smov.u32 s6;
	s12 =	sadd.s32 s12, s1  }
0x1ba: {  	v0 =	vlaneseq.u32;
	[dreg:$0x6] =	wrdreg s6;
	p0 =	por $0x1, $0x1;
	s4 =	sadd.s32 $0x1, s12  }
.LBB2_18:
0x1bb: {  	s0 =	simm.s32 $0x2  }
0x1bc: {  	_ =	swait.ge [sflag:s0], $0x0  }
0x1bd: {  	[sflag:s0] =	ssyncset.done $0x0;
	s0 =	simm.s32 $0x0  }
.LBB2_19:
0x1be: {  	_ =	swait.ge [sflag:s17], s0  }
0x1bf: {  	s31 =	ssub.s32 $0x0, s0;
	v1 =	vmov s23;
	vm0 =	veq.s32 v0, $0x0;
	[sflag:s17] =	ssyncset.done $0x0  }
0x1c0: {  	vm15 =	veq.s32 v0, $0x2;
	v1 =	vsel vm0, s28, v1;
	[sflag:s17] =	ssyncadd.s32 s31  }
0x1c1: {  	v1 =	vsel vm15, s21, v1;
	[sflag:s17] =	ssyncpa.u1 $0x1  }
0x1c2: {  	[tilespmem:$0x3648] =	vst v1  }
.LBB2_20:
0x1c3: {  	s0 =	sadd.s32 $0x1B0, s19  }
0x1c4: {  	s1 =	smov.u32 s6;
	p1 =	slt.s32 s0, s7  }
0x1c5: {  	s1 =	smov.u32 @p1 s0;
	p1 =	sne.s32 s20, s4  }
.Ltmp1:
0x1c6: {  	_ = 	snop;
	(pc) =	sbr.rel @!p1 .LBB2_21-.Ltmp1, $4  }
0x1c7: {  	_ = 	snop  }
0x1c8: {  	s21 =	smov.u32 s18  }
0x1c9: {  	s31 =	sadd.s32 $0x1, s20;
	s18 =	smov.u32 s19;
	p0 =	por !p0, !p0  }
0x1ca: {  	p4 =	por !p4, !p4;
	s20 =	smov.u32 s31;
	s19 =	smov.u32 s1  }
.LBB2_1:
0x1cb: {  	p2 =	sge.u32 s20, s12  }
0x1cc: {  	s0 =	smulhi.u32 @!p2 $0xAAAAAAAB, s20  }
0x1cd: {  	s1 =	smov.u32 s19;
	p3 =	sgt.s32 @!p2 s19, $0x186850  }
0x1ce: {  	s2 =	sshra.s32 @!p2 s19, $0x1F;
	p3 =	por !p3, p2;
	s0 =	sshrl.u32 @!p2 s0, $0x1  }
0x1cf: {  	s2 =	sand.u32 @!p2 s2, s19;
	s1 =	simm.s32 @p3 $0x186850;
	s0 =	smul.u32 @!p2 $0x3, s0  }
0x1d0: {  	s1 =	ssub.s32 @!p2 s1, s2  }
0x1d1: {  	s23 =	sadd.s32 $0xFFFFFFFF, s20;
	s1 =	sadd.s32 @!p2 $0xFFE797B0, s1;
	s0 =	ssub.s32 @!p2 s20, s0  }
0x1d2: {  	s2 =	sshll.u32 @!p2 s1, $0x2;
	p3 =	sgt.s32 @!p2 s1, $0x1AF;
	s0 =	smul.u32 @!p2 $0x6C0, s0  }
0x1d3: {  	s5 =	sand.u32 @!p2 $0x7, s19;
	s1 =	ssub.s32 @!p2 $0x6C0, s2;
	p3 =	por !p3, p2  }
0x1d4: {  	s2 =	sshrl.u32 @!p2 s19, $0x3;
	s1 =	sshrl.u32 @!p2 s1, $0x2;
	s0 =	sshrl.u32 @!p2 s0, $0x2  }
0x1d5: {  	s2 =	sadd.s32 @!p2 s2, s14;
	s1 =	simm.s32 @!p3 $0x0;
	s0 =	sadd.s32 @!p2 $0x3888, s0  }
0x1d6: {  	[tilespmem:s0], [sflag:$0xA] =	stream.linear.gather @!p2 [hbm4b:s2+s5], s1, $0x38;
	[tilespmem:$0x1F0F8] =	vst v63  }
0x1d7: {  	p2 =	sge.u32 s23, s12  }
0x1d8: {  	p3 =	sgt.s32 @!p2 s18, $0x186850  }
0x1d9: {  	s0 =	smov.u32 s18;
	s1 =	sshra.s32 @!p2 s18, $0x1F;
	p3 =	por !p3, p2  }
0x1da: {  	s1 =	sand.u32 @!p2 s1, s18;
	s0 =	simm.s32 @p3 $0x186850  }
0x1db: {  	s0 =	ssub.s32 @!p2 s0, s1  }
0x1dc: {  	s0 =	sadd.s32 @!p2 $0xFFE797B0, s0  }
0x1dd: {  	s1 =	sshll.u32 @!p2 s0, $0x2  }
0x1de: {  	p3 =	sgt.s32 @!p2 s0, $0x1AF;
	s0 =	ssub.s32 @!p2 $0x6C0, s1  }
0x1df: {  	s22 =	ssub.s32 @!p2 $0x186A00, s18;
	p3 =	por !p3, p2;
	s0 =	sshrl.u32 @!p2 s0, $0x2  }
0x1e0: {  	s1 =	sand.u32 @!p2 $0x1, s23;
	s0 =	simm.s32 @!p3 $0x0;
	p3 =	slt.s32 @!p2 s22, $0x1  }
0x1e1: {  	s2 =	simm.s32 @!p2 $0xA;
	s1 =	smul.u32 @!p2 $0x6C0, s1;
	p3 =	por p2, p3  }
.Ltmp2:
0x1e2: {  	_ =	swait.ge @!p2 [sflag:s2], s0;
	(pc) =	sbr.rel @p3 .LBB2_7-.Ltmp2, $4  }
0x1e3: {  	s5 =	ssub.s32 @!p2 $0x0, s0;
	[sflag:s2] =	ssyncset.done @!p2 $0x0  }
0x1e4: {  	s1 =	sshrl.u32 @!p2 s1, $0x2;
	[sflag:s2] =	ssyncadd.s32 @!p2 s5;
	s2 =	sshrl.u32 @!p2 s18, $0x3  }
0x1e5: {  	s1 =	sadd.s32 @!p2 $0x3D98, s1;
	s5 =	sand.u32 @!p2 $0x7, s18;
	s2 =	sadd.s32 @!p2 s2, s15  }
0x1e6: {  	[tilespmem:s1], [sflag:$0xB] =	stream.linear.gather @!p2 [hbm4b:s2+s5], s0, $0x38;
	[tilespmem:$0x1F0F8] =	vst v63  }
0x1e7: {  	s0 =	smulhi.u32 $0xAAAAAAAB, s23;
	_ =	sdelay $0x1  }
0x1e8: {  	s0 =	sshrl.u32 s0, $0x1  }
0x1e9: {  	s0 =	smul.u32 $0x3, s0;
	_ =	sdelay $0x1  }
0x1ea: {  	s0 =	ssub.s32 s23, s0  }
0x1eb: {  	s1 =	simm.s32 $0x1;
	s0 =	smul.u32 $0x6C0, s0  }
.Ltmp3:
0x1ec: {  	s1 =	simm.s32 @!p0 $0x0;
	(pc) =	sbr.rel .LBB2_4-.Ltmp3, $4  }
0x1ed: {  	s1 =	smul.u32 $0x36000, s1  }
0x1ee: {  	p3 =	slt.s32 @!p2 s22, $0x1B0;
	s0 =	sshrl.u32 s0, $0x2  }
0x1ef: {  	p2 =	por !p3, p2;
	s1 =	sshrl.u32 s1, $0x2;
	s0 =	sadd.s32 $0x3888, s0  }
0x1f0: {  	s24 =	simm.s32 $0x0;
	s22 =	simm.s32 @p2 $0x1B0;
	s23 =	sadd.s32 $0x40F8, s1;
	v1 =	vmov s0  }
.LBB2_3:
0x1f1: {  	p2 =	sge.s32 s24, s22  }
.Ltmp4:
0x1f2: {  	_ = 	snop;
	(pc) =	sbr.rel @p2 .LBB2_7-.Ltmp4, $2  }
0x1f3: {  	_ =	sdelay $0x2  }
0x1f4: {  	s23 =	sadd.s32 $0x800, s23  }
.LBB2_4:
0x1f5: {  	p2 =	sle.s32 s22, s24  }
.Ltmp5:
0x1f6: {  	_ = 	snop;
	(pc) =	sbr.rel @p2 .LBB2_3-.Ltmp5, $2  }
0x1f7: {  	_ =	sdelay $0x2  }
0x1f8: {  	s0 =	smov.u32 s24;
	s24 =	sadd.s32 $0x10, s24  }
0x1f9: {  	s1 =	ssub.s32 s22, s0  }
0x1fa: {  	p2 =	slt.s32 s1, $0x10  }
0x1fb: {  	s1 =	simm.s32 @!p2 $0x10  }
0x1fc: {  	v2 =	vmov s1  }
0x1fd: {  	vm0 =	vgt.s32 v2, v0;
	_ =	sdelay $0x5  }
0x1fe: {  	v2 =	vld.idx.msk [tilespmem:v1+s0+$0x0 ss:$0x1], vm0;
	_ =	sdelay $0x2  }
0x1ff: {  	p2 =	slt.s32 s24, s22;
	s1 =	smov.u32 s22  }
0x200: {  	s2 =	smov.u32 s23;
	s25 =	simm.s32 $0x0;
	s1 =	smov.u32 @p2 s24  }
.LBB2_6:
0x201: {  	(v2sf) =	vpush v2, s25;
	_ =	sdelay $0xc  }
0x202: {  	s25 =	sadd.s32 $0x1, s25  }
0x203: {  	s31 =	sadd.s32 s25, s0  }
0x204: {  	p2 =	slt.s32 s31, s1;
	s5 =	spop (v2sf)  }
.Ltmp6:
0x205: {  	s5 =	sshll.u32 s5, $0x4;
	(pc) =	sbr.rel @p2 .LBB2_6-.Ltmp6, $4  }
0x206: {  	s5 =	sand.u32 $0x1FFFFFF0, s5  }
0x207: {  	s5 =	sadd.s32 s11, s5  }
0x208: {  	[tilespmem:s2], [sflag:$0x9] =	stream.linear.gather [hbm4b:s5+s16], $0x5, $0x38;
	[tilespmem:$0x1F0F8] =	vst v63  }
0x209: {  	s2 =	sadd.s32 $0x80, s2  }
.Ltmp7:
0x20a: {  	_ = 	snop;
	(pc) =	sbr.rel .LBB2_3-.Ltmp7, $1  }
0x20b: {  	_ =	sdelay $0x3  }
.LBB2_7:
0x20c: {  	p2 =	slt.u32 s20, $0x2  }
.Ltmp8:
0x20d: {  	_ = 	snop;
	(pc) =	sbr.rel @p2 .LBB2_20-.Ltmp8, $1  }
0x20e: {  	_ =	sdelay $0x3  }
0x20f: {  	s0 =	ssub.s32 $0x186A00, s21;
	p2 =	sgt.s32 s21, $0x186850  }
0x210: {  	s1 =	smov.u32 s21;
	s2 =	sshra.s32 s21, $0x1F;
	p3 =	slt.s32 s0, $0x1B0  }
0x211: {  	s1 =	simm.s32 @!p2 $0x186850;
	s2 =	sand.u32 s2, s21;
	s0 =	simm.s32 @!p3 $0x1B0  }
0x212: {  	s1 =	ssub.s32 s1, s2;
	s0 =	smul.u32 $0x14, s0  }
0x213: {  	s1 =	sadd.s32 $0xFFE797B0, s1  }
0x214: {  	s26 =	simm.s32 $0x9;
	s24 =	sshll.u32 s1, $0x2;
	s0 =	sshrl.u32 s0, $0x2  }
0x215: {  	p2 =	sgt.s32 s1, $0x1AF;
	s25 =	ssub.s32 $0x6C0, s24;
	_ =	swait.ge [sflag:s26], s0  }
0x216: {  	s0 =	ssub.s32 $0x0, s0;
	s1 =	sshrl.u32 s25, $0x2;
	[sflag:s26] =	ssyncset.done $0x0  }
0x217: {  	s28 =	simm.s32 $0xB;
	s1 =	simm.s32 @p2 $0x0;
	[sflag:s26] =	ssyncadd.s32 s0  }
0x218: {  	_ =	swait.ge [sflag:s28], s1  }
0x219: {  	s30 =	ssub.s32 $0x0, s1;
	[sflag:s28] =	ssyncset.done $0x0  }
0x21a: {  	[sflag:s28] =	ssyncadd.s32 s30  }
0x21b: {  	v1 =	vld [tilespmem:$0x3648];
	_ =	sdelay $0x4  }
0x21c: {  	(v2sf) =	vpush v1, $0x0  }
0x21d: {  	(v2sf) =	vpush v1, $0x1  }
0x21e: {  	(v2sf) =	vpush v1, $0x2;
	_ =	sdelay $0x3  }
0x21f: {  	s0 =	sadd.s32 $0x1B0, s21  }
0x220: {  	p2 =	slt.s32 s7, s0;
	s1 =	ssub.s32 $0x30D400, s21  }
0x221: {  	s0 =	smov.u32 @p2 s7;
	p2 =	sgt.s32 s1, $0x0  }
0x222: {  	s25 =	ssub.s32 s0, s21;
	s1 =	simm.s32 @!p2 $0x0  }
0x223: {  	p2 =	slt.s32 s1, s25  }
0x224: {  	s25 =	smov.u32 @p2 s1  }
0x225: {  	s24 =	simm.s32 $0x1;
	p2 =	slt.s32 s25, $0x1  }
.Ltmp9:
0x226: {  	s24 =	simm.s32 @!p4 $0x0;
	(pc) =	sbr.rel @p2 .LBB2_12-.Ltmp9, $4  }
0x227: {  	s31 =	smul.u32 $0x6C0, s24  }
0x228: {  	s26 =	spop (v2sf)  }
0x229: {  	s0 =	sshrl.u32 s31, $0x2;
	s29 =	spop (v2sf)  }
0x22a: {  	s22 =	sadd.s32 $0x3D98, s0;
	s21 =	spop (v2sf)  }
0x22b: {  	s0 =	smin.u32 s25, $0x10  }
0x22c: {  	v1 =	vmov s0  }
0x22d: {  	p3 =	sgt.s32 s25, $0x10;
	vm1 =	vgt.u32 v1, v0  }
.Ltmp10:
0x22e: {  	_ = 	snop;
	(pc) =	sbr.rel @!p3 .LBB2_11-.Ltmp10, $2  }
0x22f: {  	_ =	sdelay $0x2  }
0x230: {  	s23 =	simm.s32 $0x10;
	s28 =	sadd.s32 $0xFFFFFFF0, s25;
	s0 =	smov.u32 s22;
	vm0 =	vmmov vm1  }
.LBB2_10:
0x231: {  	s1 =	smin.u32 s28, $0x10;
	s23 =	sadd.s32 $0x10, s23;
	v1 =	vld.msk [tilespmem:s0+$0x0 ss:$0x1], vm1  }
0x232: {  	v2 =	vmov s1;
	p3 =	slt.s32 s23, s25  }
0x233: {  	vm1 =	vgt.u32 v2, v0  }
.Ltmp11:
0x234: {  	(pc) =	sbr.rel @p3 .LBB2_10-.Ltmp11, $3  }
0x235: {  	_ =	sdelay $0x1  }
0x236: {  	v1 =	vshll.u32 v1, $0x4  }
0x237: {  	s28 =	sadd.s32 $0xFFFFFFF0, s28;
	[tilespmem:s0+$0x0] =	vst.msk vm0, v1;
	s0 =	sadd.s32 $0x10, s0;
	vm0 =	vmmov vm1  }
.LBB2_11:
0x238: {  	_ =	sdelay $0x4  }
0x239: {  	v1 =	vld.msk [tilespmem:s0+$0x0 ss:$0x1], vm1;
	_ =	sdelay $0x4  }
0x23a: {  	v1 =	vshll.u32 v1, $0x4  }
0x23b: {  	[tilespmem:s0+$0x0] =	vst.msk vm0, v1  }
.LBB2_12:
0x23c: {  	s0 =	sand.u32 $0x1, s20  }
0x23d: {  	s0 =	smul.u32 $0x1B0, s0  }
0x23e: {  	p3 =	sne.s32 s29, $0xFFFFFFFF  }
0x23f: {  	v1 =	vld.msk @!p3 [tilespmem:s0+$0x3D98], $0x1;
	_ =	sdelay $0x4  }
0x240: {  	(v2sf) =	vpush @!p3 v1, $0x0;
	_ =	sdelay $0xc  }
.Ltmp12:
0x241: {  	_ = 	snop;
	(pc) =	sbr.rel @p2 .LBB2_18-.Ltmp12, $4  }
0x242: {  	_ = 	snop  }
0x243: {  	s28 =	spop @!p3 (v2sf)  }
0x244: {  	s21 =	simm.s32 @!p3 $0x0;
	s23 =	smov.u32 s28  }
0x245: {  	[sflag:s17] =	ssyncpa.u1 $0x0;
	s28 =	smov.u32 @p3 s26;
	s23 =	smov.u32 @p3 s29  }
0x246: {  	v1 =	vld.msk [tilespmem:s22+$0x0], $0x1;
	_ =	sdelay $0x4  }
0x247: {  	(v2sf) =	vpush v1, $0x0;
	_ =	sdelay $0xe  }
0x248: {  	s0 =	simm.s32 @!p4 $0x0;
	s26 =	smul.u32 $0x36000, s24;
	s31 =	spop (v2sf)  }
0x249: {  	s29 =	ssub.s32 $0x0, s25;
	s0 =	simm.s32 @p4 $0x1;
	p2 =	seq.s32 s28, s31  }
0x24a: {  	s1 =	smov.u32 s28;
	[smem:$0x7FD] =	sst s0;
	p3 =	sgt.s32 @!p2 s28, $0x0  }
0x24b: {  	s0 =	sshrl.u32 s26, $0x2;
	s26 =	sadd.s32 $0x1, s29;
	p3 =	por !p3, p2  }
0x24c: {  	s1 =	simm.s32 @p3 $0x0;
	p3 =	seq.s32 s26, $0x0  }
.Ltmp13:
0x24d: {  	_ = 	snop;
	(pc) =	sbr.rel @p3 .LBB2_15-.Ltmp13, $4  }
0x24e: {  	s6 =	smov.u32 s4;
	s25 =	simm.s32 $0x0  }
0x24f: {  	s24 =	sadd.s32 $0x40F8, s0;
	s0 =	simm.s32 @!p2 $0x1;
	s2 =	smin.u32 @!p2 s1, $0x61A7FF  }
0x250: {  	s30 =	sadd.s32 $0x1, s22;
	s0 =	smov.u32 @p2 s25;
	s5 =	sand.u32 @!p2 $0x7FFFF8, s2  }
0x251: {  	s1 =	simm.s32 @!p2 $0x1B38;
	s2 =	sand.u32 @!p2 $0x7, s2;
	s5 =	sadd.s32 @!p2 s3, s5  }
.LBB2_14:
0x252: {  	s4 =	smov.u32 s0  }
0x253: {  	[tilespmem:s1], [sflag:$0x2] =	stream.linear.gather @!p2 [hbm4b:s5+s2], $0x5, $0x38;
	[tilespmem:$0x1F0F8] =	vst v63  }
0x254: {  	s26 =	sadd.s32 $0x1, s26;
	s2 =	smov.u32 s31;
	v1 =	vld.msk [tilespmem:s30+$0x0], $0x1  }
0x255: {  	p3 =	seq.s32 s26, $0x0;
	_ =	sdelay $0x3  }
0x256: {  	(v2sf) =	vpush v1, $0x0;
	_ =	sdelay $0xe  }
0x257: {  	s31 =	spop (v2sf)  }
0x258: {  	p2 =	seq.s32 s2, s31  }
0x259: {  	p4 =	sgt.s32 @!p2 s2, $0x0;
	s1 =	sshll.u32 @!p2 s0, $0x6;
	s0 =	sadd.s32 @!p2 $0x1, s0  }
.Ltmp14:
0x25a: {  	p4 =	por !p4, p2;
	s1 =	sshra.s32 @!p2 s1, $0x2;
	(pc) =	sbr.rel @!p3 .LBB2_14-.Ltmp14, $4  }
0x25b: {  	s0 =	smov.u32 @p2 s4;
	s2 =	simm.s32 @p4 $0x0;
	s1 =	sadd.s32 @!p2 $0x1B38, s1  }
0x25c: {  	s2 =	smin.u32 @!p2 s2, $0x61A7FF  }
0x25d: {  	s4 =	sand.u32 @!p2 $0x7FFFF8, s2;
	s2 =	sand.u32 @!p2 $0x7, s2  }
0x25e: {  	s30 =	sadd.s32 $0x1, s30;
	s5 =	sadd.s32 @!p2 s3, s4  }
.LBB2_15:
0x25f: {  	s0 =	smul.u32 $0x14, s0  }
0x260: {  	[tilespmem:s1], [sflag:$0x2] =	stream.linear.gather @!p2 [hbm4b:s5+s2], $0x5, $0x38;
	[tilespmem:$0x1F0F8] =	vst v63  }
0x261: {  	s31 =	simm.s32 $0x2;
	s0 =	sshrl.u32 s0, $0x2  }
0x262: {  	_ =	swait.ge [sflag:s31], s0  }
0x263: {  	s0 =	ssub.s32 $0x0, s0;
	[sflag:s31] =	ssyncset.done $0x0  }
0x264: {  	[sflag:s31] =	ssyncadd.s32 s0  }
0x265: {  	v1 =	vld.msk [tilespmem:s22+$0x0], $0x1;
	_ =	sdelay $0x4  }
0x266: {  	(v2sf) =	vpush v1, $0x0;
	_ =	sdelay $0xe  }
0x267: {  	s26 =	spop (v2sf)  }
0x268: {  	p2 =	sne.s32 s28, s26  }
0x269: {  	p4 =	sne.s32 @p2 s28, s23  }
0x26a: {  	p3 =	por !p4, !p2  }
0x26b: {  	s0 =	simm.s32 @!p3 $0x0  }
0x26c: {  	v1 =	vld.msk @!p3 [tilespmem:s0+$0x1B38], $0x1f  }
0x26d: {  	p5 =	sgt.u32 @!p3 s28, $0x61A7FF  }
0x26e: {  	s1 =	sshll.u32 @!p3 s21, $0x6;
	p6 =	por @p2 p5, !p4  }
0x26f: {  	s1 =	sshra.s32 @!p3 s1, $0x2;
	p1 =	por p6, !p2;
	p6 =	por p4, !p2  }
0x270: {  	s2 =	sadd.s32 @!p3 $0x28, s1;
	s4 =	sand.u32 @!p1 $0x7FFFF8, s28;
	s5 =	sshll.u32 @!p6 s21, $0x6  }
0x271: {  	s28 =	sand.u32 @!p1 $0x7, s28;
	[tilespmem:s1+$0x28] =	vst.add.f32.msk @!p3 $0x1f, v1;
	s1 =	sadd.s32 @!p1 s3, s4;
	s4 =	sshra.s32 @!p6 s5, $0x2  }
0x272: {  	[hbm4b:s1+s28] =	stream.linear.scatter @!p1 [tilespmem:s2], [sflag:$0xC], $0x5, $0x38;
	[tilespmem:$0x1F0F8] =	vst v63  }
0x273: {  	s0 =	rddreg [dreg:$0x4];
	s1 =	sadd.s32 @!p6 $0x28, s4;
	s2 =	simm.s32 @!p6 $0x1  }
0x274: {  	[spmem:s0] =	stream.linear.scatter @!p6 [tilespmem:s1], [sflag:$0x1], $0x5, $0x38;
	[tilespmem:$0x1F0F8] =	vst v63  }
0x275: {  	s0 =	sadd.s32 @p2 $0x1, s21;
	_ =	swait.ge @!p6 [sflag:s2], $0x5  }
0x276: {  	s1 =	sshrl.u32 @p2 s0, $0x4;
	[sflag:s2] =	ssyncset.done @!p6 $0x0  }
0x277: {  	s1 =	smulhi.u32 @p2 $0x97B425F, s1;
	[sflag:s2] =	ssyncadd.s32 @!p6 $0xFFFFFFFB  }
0x278: {  	s28 =	sadd.s32 $0x1, s29;
	v1 =	vld.msk @p2 [tilespmem:s24+$0x0], $0x1f  }
0x279: {  	p1 =	por @p2 !p5, !p4;
	p4 =	seq.s32 s28, $0x0;
	s1 =	smul.u32 @p2 $0x1B0, s1  }
.Ltmp15:
0x27a: {  	p1 =	por !p1, !p2;
	s2 =	simm.s32 @!p3 $0x0;
	(pc) =	sbr.rel @p4 .LBB2_17-.Ltmp15, $4  }
0x27b: {  	s4 =	sshll.u32 @!p2 s21, $0x6;
	s2 =	simm.s32 @!p1 $0x14;
	s0 =	ssub.s32 @p2 s0, s1  }
0x27c: {  	s29 =	simm.s32 $0x0;
	s2 =	sadd.s32 @!p3 $0x0, s2;
	s5 =	sshll.u32 @p2 s0, $0x4  }
0x27d: {  	s30 =	sshra.s32 @!p2 s4, $0x2;
	s1 =	simm.s32 @p2 $0x1;
	s2 =	smov.u32 @p3 s25;
	[tilespmem:s5+$0x28] =	vst.msk @p2 $0x1f, v1  }
0x27e: {  	s21 =	smov.u32 @p2 s0;
	s29 =	smov.u32 @p2 s2;
	s25 =	smov.u32 @p2 s1;
	v1 =	vld.msk @!p2 [tilespmem:s24+$0x0], $0x1f  }
.LBB2_16:
0x27f: {  	_ =	sdelay $0x3  }
0x280: {  	s22 =	sadd.s32 $0x1, s22;
	[tilespmem:s30+$0x28] =	vst.add.f32.msk @!p2 $0x1f, v1  }
0x281: {  	v1 =	vld.msk [tilespmem:s22+$0x0], $0x1;
	_ =	sdelay $0x4  }
0x282: {  	(v2sf) =	vpush v1, $0x0;
	_ =	sdelay $0xe  }
0x283: {  	s0 =	smov.u32 s26;
	s26 =	spop (v2sf)  }
0x284: {  	p2 =	sne.s32 s0, s26  }
0x285: {  	p5 =	sne.s32 @p2 s0, s23  }
0x286: {  	s4 =	sshll.u32 @!p2 s21, $0x6;
	p4 =	por !p5, !p2  }
0x287: {  	s30 =	sshra.s32 @!p2 s4, $0x2;
	s4 =	sshll.u32 @!p4 s25, $0x6  }
0x288: {  	s4 =	sshra.s32 @!p4 s4, $0x2  }
0x289: {  	p1 =	sgt.u32 @!p4 s0, $0x61A7FF;
	v1 =	vld.msk @!p4 [tilespmem:s4+$0x1B38], $0x1f  }
0x28a: {  	s31 =	sshll.u32 @!p4 s21, $0x6;
	p6 =	por @p2 p1, !p5;
	p1 =	por @p2 !p1, !p5  }
0x28b: {  	s8 =	simm.s32 @!p4 $0x0;
	s31 =	sshra.s32 @!p4 s31, $0x2;
	p1 =	por !p1, !p2  }
0x28c: {  	p5 =	por p5, !p2;
	s8 =	simm.s32 @!p1 $0x14;
	p1 =	por p6, !p2  }
0x28d: {  	s4 =	sadd.s32 @!p4 $0x28, s31;
	s13 =	sshll.u32 @!p5 s21, $0x6;
	s10 =	sand.u32 @!p1 $0x7FFFF8, s0  }
0x28e: {  	s13 =	sshra.s32 @!p5 s13, $0x2;
	s0 =	sand.u32 @!p1 $0x7, s0;
	s10 =	sadd.s32 @!p1 s3, s10;
	[tilespmem:s31+$0x28] =	vst.add.f32.msk @!p4 $0x1f, v1  }
0x28f: {  	[hbm4b:s10+s0] =	stream.linear.scatter @!p1 [tilespmem:s4], [sflag:$0xC], $0x5, $0x38;
	[tilespmem:$0x1F0F8] =	vst v63  }
0x290: {  	s1 =	rddreg [dreg:$0x4];
	s0 =	sadd.s32 @!p5 $0x28, s13;
	s4 =	simm.s32 @!p5 $0x1  }
0x291: {  	[spmem:s1] =	stream.linear.scatter @!p5 [tilespmem:s0], [sflag:$0x1], $0x5, $0x38;
	[tilespmem:$0x1F0F8] =	vst v63  }
0x292: {  	s2 =	sadd.s32 @p2 $0x1, s21;
	_ =	swait.ge @!p5 [sflag:s4], $0x5  }
0x293: {  	s5 =	sshrl.u32 @p2 s2, $0x4;
	[sflag:s4] =	ssyncset.done @!p5 $0x0  }
0x294: {  	s24 =	sadd.s32 $0x80, s24;
	s5 =	smulhi.u32 @p2 $0x97B425F, s5;
	[sflag:s4] =	ssyncadd.s32 @!p5 $0xFFFFFFFB  }
0x295: {  	s28 =	sadd.s32 $0x1, s28;
	v1 =	vld.msk @p2 [tilespmem:s24+$0x0], $0x1f  }
0x296: {  	p3 =	seq.s32 s28, $0x0;
	s5 =	smul.u32 @p2 $0x1B0, s5  }
.Ltmp16:
0x297: {  	_ = 	snop;
	(pc) =	sbr.rel @!p3 .LBB2_16-.Ltmp16, $4  }
0x298: {  	s2 =	ssub.s32 @p2 s2, s5  }
0x299: {  	s8 =	sadd.s32 @!p4 s8, s29;
	s5 =	sshll.u32 @p2 s2, $0x4  }
0x29a: {  	s9 =	sadd.s32 @p2 $0x1, s25;
	s8 =	smov.u32 @p4 s29;
	[tilespmem:s5+$0x28] =	vst.msk @p2 $0x1f, v1  }
0x29b: {  	s25 =	smov.u32 @p2 s9;
	s21 =	smov.u32 @p2 s2;
	s29 =	smov.u32 @p2 s8;
	v1 =	vld.msk @!p2 [tilespmem:s24+$0x0], $0x1f  }
.LBB2_17:
.Ltmp17:
0x29c: {  	_ = 	snop;
	(pc) =	sbr.rel .LBB2_19-.Ltmp17, $3  }
0x29d: {  	s1 =	sld [smem:$0x7FD];
	_ =	sdelay $0x1  }
0x29e: {  	s0 =	sshrl.u32 s29, $0x2;
	s28 =	smov.u32 s26  }
0x29f: {  	s4 =	smov.u32 s6;
	s6 =	rddreg [dreg:$0x6];
	p4 =	seq.s32 s1, $0x1;
	[tilespmem:s30+$0x28] =	vst.add.f32.msk @!p2 $0x1f, v1  }
.LBB2_21:
0x2a0: {  	_ =	sfence.sel $0x180000  }
0x2a1: {  	s0 =	simm.s32 $0x9;
	[bflag:$0x0] =	sbarrier.arrive $0xFFFF  }
0x2a2: {  	s24 =	simm.s32 $0xA;
	[sflag:s0] =	ssyncpa.u1 $0x1  }
0x2a3: {  	s25 =	simm.s32 $0xB;
	[sflag:s24] =	ssyncpa.u1 $0x1  }
0x2a4: {  	s26 =	simm.s32 $0x2;
	[sflag:s25] =	ssyncpa.u1 $0x1  }
0x2a5: {  	[sflag:s26] =	ssyncpa.u1 $0x1  }
0x2a6: {  	v0 =	vld [tilespmem:$0x3648];
	_ =	sdelay $0x4  }
0x2a7: {  	(v2sf) =	vpush v0, $0x0  }
0x2a8: {  	(v2sf) =	vpush v0, $0x1;
	_ =	sdelay $0x1  }
0x2a9: {  	(v2sf) =	vpush v0, $0x2;
	_ =	sdelay $0xb  }
0x2aa: {  	s0 =	spop (v2sf)  }
0x2ab: {  	s1 =	spop (v2sf)  }
0x2ac: {  	s2 =	smov.u32 s0;
	p0 =	sne.s32 s0, s1  }
0x2ad: {  	s4 =	spop (v2sf);
	s2 =	simm.s32 @!p0 $0xFFFFFFFF  }
0x2ae: {  	v2 =	vimm.s32 $0x1;
	v3 =	vlaneseq.u32;
	p0 =	seq.s32 s4, $0xFFFFFFFF;
	v1 =	vmov s2  }
0x2af: {  	s16 =	stileid.u32;
	v0 =	vperm.xlane v0, v2;
	p1 =	sne.s32 @!p0 s0, s1;
	v1 =	vperm.xlane v1, v3  }
0x2b0: {  	vm0 =	vcmask $0x3F04;
	s6 =	simm.s32 $0x3648;
	s0 =	simm.s32 @!p0 $0x1;
	p1 =	por !p1, p0  }
0x2b1: {  	s2 =	sshll.u32 s16, $0x1;
	s1 =	sshll.u32 @!p0 s4, $0x6;
	s0 =	simm.s32 @p1 $0x0;
	v0 =	vsel vm0, v1, v0  }
0x2b2: {  	s5 =	sor.u32 $0x200, s2;
	s1 =	sshra.s32 @!p0 s1, $0x2;
	s0 =	sor.u32 @!p0 s0, s2;
	[tilespmem:$0x3648] =	vst v0  }
0x2b3: {  	[spmem:s5] =	stream.linear.scatter [tilespmem:s6], [sflag:$0x1], $0x2, $0x38;
	[tilespmem:$0x1F0F8] =	vst v63  }
0x2b4: {  	s1 =	sadd.s32 @!p0 $0x28, s1;
	s0 =	sshll.u32 @!p0 s0, $0x4  }
0x2b5: {  	[spmem:s0] =	stream.linear.scatter @!p0 [tilespmem:s1], [sflag:$0x1], $0x10, $0x38;
	[tilespmem:$0x1F0F8] =	vst v63  }
0x2b6: {  	s0 =	simm.s32 @!p0 $0x12  }
0x2b7: {  	s28 =	simm.s32 $0x1;
	s0 =	simm.s32 @p0 $0x2  }
0x2b8: {  	_ =	swait.ge [sflag:s28], s0  }
0x2b9: {  	s0 =	ssub.s32 $0x0, s0;
	[sflag:s28] =	ssyncset.done $0x0  }
0x2ba: {  	p0 =	sne.s32 s16, $0x0;
	[sflag:s28] =	ssyncadd.s32 s0  }
.Ltmp18:
0x2bb: {  	_ =	sfence.stream.spmem;
	(pc) =	sbr.rel @p0 .LBB2_38-.Ltmp18, $4  }
0x2bc: {  	s29 =	simm.s32 $0x3;
	[bflag:$0x0] =	sbarrier.arrive $0xFFFF  }
0x2bd: {  	s30 =	simm.s32 $0x4;
	[sflag:s29] =	ssyncpa.u1 $0x1  }
0x2be: {  	s31 =	simm.s32 $0x3C;
	[sflag:s30] =	ssyncpa.u1 $0x1  }
0x2bf: {  	s17 =	rddreg [dreg:$0x5];
	[sflag:s31] =	ssyncpa.u1 $0x1  }
0x2c0: {  	_ =	sfence.stream.spmem;
	s0 =	simm.s32 $0x5  }
0x2c1: {  	s1 =	simm.s32 $0x200;
	s2 =	simm.s32 $0x3658;
	[sflag:s0] =	ssyncpa.u1 $0x0  }
0x2c2: {  	[tilespmem:s2], [sflag:$0x5] =	stream.linear.gather [spmem:s1], $0x20, $0x38;
	[tilespmem:$0x1F0F8] =	vst v63  }
0x2c3: {  	s26 =	simm.s32 $0x0;
	s28 =	simm.s32 $0x3678  }
0x2c4: {  	[tilespmem:s28], [sflag:$0x5] =	stream.linear.gather [spmem:s26], $0x200, $0x38;
	[tilespmem:$0x1F0F8] =	vst v63  }
0x2c5: {  	_ =	swait.ge [sflag:s0], $0x220  }
0x2c6: {  	[sflag:s0] =	ssyncset.done $0x0  }
0x2c7: {  	s29 =	simm.s32 $0x0;
	[sflag:s0] =	ssyncadd.s32 $0xFFFFFDE0  }
0x2c8: {  	v0 =	vld.msk [tilespmem:s29+$0x3658], $0x1;
	_ =	sdelay $0x1  }
0x2c9: {  	s30 =	simm.s32 $0x1  }
0x2ca: {  	v1 =	vld.msk [tilespmem:s30+$0x3658], $0x1;
	_ =	sdelay $0x1  }
0x2cb: {  	(v2sf) =	vpush v0, $0x0;
	_ =	sdelay $0x2  }
0x2cc: {  	(v2sf) =	vpush v1, $0x0;
	_ =	sdelay $0x2  }
0x2cd: {  	s31 =	simm.s32 $0x2  }
0x2ce: {  	v0 =	vld.msk [tilespmem:s31+$0x3658], $0x1;
	_ =	sdelay $0x2  }
0x2cf: {  	s6 =	simm.s32 $0xFFFFFFFF;
	s1 =	simm.s32 $0xFFFFFFFF;
	s0 =	simm.s32 $0xC  }
.LBB2_23:
0x2d0: {  	s2 =	smov.u32 s6;
	s4 =	smov.u32 s1  }
0x2d1: {  	s1 =	sshra.s32 s0, $0x2;
	p1 =	sne.s32 s0, $0x7C;
	s0 =	sadd.s32 $0x4, s0;
	(v2sf) =	vpush v0, $0x0  }
0x2d2: {  	v0 =	vld.msk [tilespmem:s1+$0x3658], $0x1  }
.Ltmp19:
0x2d3: {  	(pc) =	sbr.rel @p1 .LBB2_23-.Ltmp19, $4  }
0x2d4: {  	s6 =	spop (v2sf)  }
0x2d5: {  	p2 =	sne.s32 s4, $0xFFFFFFFF;
	s1 =	smov.u32 s6  }
0x2d6: {  	p3 =	seq.s32 s6, $0xFFFFFFFF;
	s1 =	smov.u32 @p2 s4  }
0x2d7: {  	s6 =	smov.u32 @p3 s2;
	s1 =	smov.u32 @p3 s4  }
0x2d8: {  	(v2sf) =	vpush v0, $0x0;
	_ =	sdelay $0x8  }
0x2d9: {  	s0 =	spop (v2sf)  }
0x2da: {  	p1 =	sne.s32 s1, $0xFFFFFFFF;
	s2 =	smov.u32 s0  }
0x2db: {  	s9 =	simm.s32 $0x6;
	p2 =	seq.s32 s0, $0xFFFFFFFF;
	s2 =	smov.u32 @p1 s1  }
0x2dc: {  	s10 =	simm.s32 $0x3638;
	s2 =	smov.u32 @p2 s1;
	s1 =	spop (v2sf)  }
0x2dd: {  	s0 =	smov.u32 @p2 s6;
	p1 =	sne.s32 s2, $0xFFFFFFFF;
	s4 =	smov.u32 s1  }
.Ltmp20:
0x2de: {  	p2 =	seq.s32 s1, $0xFFFFFFFF;
	s4 =	smov.u32 @p1 s2;
	(pc) =	sbr.rel .LBB2_25-.Ltmp20, $4  }
0x2df: {  	s11 =	simm.s32 $0x0;
	s4 =	smov.u32 @p2 s2;
	s7 =	spop (v2sf)  }
0x2e0: {  	[sflag:s9] =	ssyncpa.u1 $0x0;
	p1 =	sne.s32 s4, $0xFFFFFFFF;
	s8 =	smov.u32 s7  }
0x2e1: {  	s1 =	smov.u32 @p2 s0;
	p2 =	seq.s32 s7, $0xFFFFFFFF;
	s8 =	smov.u32 @p1 s4  }
0x2e2: {  	s6 =	simm.s32 $0x0;
	s7 =	smov.u32 @p2 s1;
	s8 =	smov.u32 @p2 s4  }
.LBB2_30:
0x2e3: {  	p1 =	sgt.u32 s12, $0x61A7FF  }
0x2e4: {  	p2 =	seq.s32 @!p1 s12, s8  }
0x2e5: {  	p1 =	por p1, p2  }
0x2e6: {  	p2 =	sne.s32 @!p1 s12, s7  }
0x2e7: {  	p1 =	por p1, !p2  }
0x2e8: {  	s0 =	sshll.u32 @p1 s11, $0x6  }
0x2e9: {  	s0 =	sand.u32 @!p1 $0x7FFFF8, s12  }
0x2ea: {  	s1 =	sand.u32 @!p1 $0x7, s12;
	s0 =	sadd.s32 @!p1 s3, s0  }
0x2eb: {  	[tilespmem:s10], [sflag:$0x6] =	stream.linear.gather @!p1 [hbm4b:s0+s1], $0x5, $0x38;
	[tilespmem:$0x1F0F8] =	vst v63  }
0x2ec: {  	_ =	swait.ge @!p1 [sflag:s9], $0x5  }
0x2ed: {  	[sflag:s9] =	ssyncset.done @!p1 $0x0  }
0x2ee: {  	[sflag:s9] =	ssyncadd.s32 @!p1 $0xFFFFFFFB  }
0x2ef: {  	v1 =	vld @!p1 [tilespmem:$0x3638];
	_ =	sdelay $0x2  }
0x2f0: {  	s0 =	sshll.u32 @!p1 s11, $0x6  }
0x2f1: {  	s1 =	sshrl.u32 @!p1 s0, $0x2  }
0x2f2: {  	[tilespmem:s1+$0x3678] =	vst.add.f32.msk @!p1 $0xffff, v1  }
0x2f3: {  	s0 =	sshrl.u32 s0, $0x2;
	[tilespmem:s6+$0x3658] =	vst.msk $0x1, v0  }
0x2f4: {  	v0 =	vld [tilespmem:s0+$0x3678];
	_ =	sdelay $0x2  }
0x2f5: {  	s31 =	sshll.u32 s6, $0x6  }
0x2f6: {  	s0 =	sshra.s32 s31, $0x2  }
0x2f7: {  	s6 =	sadd.s32 $0x1, s6;
	[tilespmem:s0+$0x3678] =	vst v0  }
.LBB2_32:
0x2f8: {  	s11 =	sadd.s32 $0x1, s11  }
0x2f9: {  	p1 =	sne.s32 s11, $0x20  }
.Ltmp21:
0x2fa: {  	_ = 	snop;
	(pc) =	sbr.rel @!p1 .LBB2_33-.Ltmp21, $1  }
0x2fb: {  	_ =	sdelay $0x3  }
.LBB2_25:
0x2fc: {  	v0 =	vld.msk [tilespmem:s11+$0x3658], $0x1;
	_ =	sdelay $0x4  }
0x2fd: {  	(v2sf) =	vpush v0, $0x0;
	_ =	sdelay $0xe  }
0x2fe: {  	s12 =	spop (v2sf)  }
0x2ff: {  	p1 =	seq.s32 s12, $0xFFFFFFFF  }
.Ltmp22:
0x300: {  	_ = 	snop;
	(pc) =	sbr.rel @p1 .LBB2_32-.Ltmp22, $1  }
0x301: {  	_ =	sdelay $0x3  }
0x302: {  	p1 =	slt.s32 s6, $0x1  }
.Ltmp23:
0x303: {  	_ = 	snop;
	(pc) =	sbr.rel @p1 .LBB2_30-.Ltmp23, $1  }
0x304: {  	_ =	sdelay $0x3  }
0x305: {  	s13 =	simm.s32 $0x3658;
	p1 =	por $0x0, $0x0  }
0x306: {  	v1 =	vld.msk @!p1 [tilespmem:s13+$0x0], $0x1;
	_ =	sdelay $0x4  }
0x307: {  	(v2sf) =	vpush @!p1 v1, $0x0;
	_ =	sdelay $0xd  }
0x308: {  	p3 =	sne.s32 s6, $0x1  }
.Ltmp24:
0x309: {  	s0 =	spop @!p1 (v2sf);
	(pc) =	sbr.rel @!p3 .LBB2_29-.Ltmp24, $4  }
0x30a: {  	p2 =	seq.s32 @!p1 s12, s0  }
0x30b: {  	s14 =	simm.s32 $0x0;
	p2 =	por !p2, p1  }
0x30c: {  	s0 =	simm.s32 $0xFFFFFFFF;
	s14 =	simm.s32 @p2 $0xFFFFFFFF  }
0x30d: {  	s15 =	simm.s32 $0x1;
	s14 =	smov.u32 @p1 s0  }
.LBB2_28:
0x30e: {  	s0 =	smov.u32 s14;
	p1 =	sne.s32 s14, $0xFFFFFFFF  }
0x30f: {  	s13 =	sadd.s32 $0x1, s13;
	s14 =	smov.u32 s15;
	s15 =	sadd.s32 $0x1, s15  }
0x310: {  	p2 =	sne.s32 s6, s15;
	v1 =	vld.msk @!p1 [tilespmem:s13+$0x0], $0x1;
	_ =	sdelay $0x4  }
0x311: {  	(v2sf) =	vpush @!p1 v1, $0x0;
	_ =	sdelay $0xe  }
.Ltmp25:
0x312: {  	s1 =	spop @!p1 (v2sf);
	(pc) =	sbr.rel @p2 .LBB2_28-.Ltmp25, $4  }
0x313: {  	p3 =	seq.s32 @!p1 s12, s1  }
0x314: {  	p3 =	por !p3, p1  }
0x315: {  	s14 =	simm.s32 @p3 $0xFFFFFFFF  }
0x316: {  	s14 =	smov.u32 @p1 s0  }
.LBB2_29:
0x317: {  	p1 =	sne.s32 s14, $0xFFFFFFFF  }
.Ltmp26:
0x318: {  	_ = 	snop;
	(pc) =	sbr.rel @!p1 .LBB2_30-.Ltmp26, $1  }
0x319: {  	_ =	sdelay $0x3  }
0x31a: {  	s0 =	sshll.u32 s11, $0x4  }
0x31b: {  	s0 =	sand.u32 $0x3FFFFFF0, s0  }
0x31c: {  	v0 =	vld [tilespmem:s0+$0x3678]  }
.Ltmp27:
0x31d: {  	_ = 	snop;
	(pc) =	sbr.rel .LBB2_32-.Ltmp27, $4  }
0x31e: {  	_ = 	snop  }
0x31f: {  	s31 =	sshll.u32 s14, $0x6  }
0x320: {  	s0 =	sshra.s32 s31, $0x2  }
0x321: {  	[tilespmem:s0+$0x3678] =	vst.add.f32.msk $0xffff, v0  }
.LBB2_33:
0x322: {  	s0 =	simm.s32 $0x6;
	p1 =	seq.s32 s6, $0x0  }
0x323: {  	[sflag:s0] =	ssyncpa.u1 $0x1;
	v0 =	vimm.s32 @p1 $0xFFFFFFFF  }
0x324: {  	s9 =	sadd.s32 $0xFFFFFFFF, s6;
	[tilespmem:$0x3878] =	vst @p1 v0  }
0x325: {  	v0 =	vld.msk @!p1 [tilespmem:s9+$0x3658], $0x1;
	_ =	sdelay $0x1  }
0x326: {  	v1 =	vld.msk @!p1 [tilespmem:$0x3658], $0x1;
	_ =	sdelay $0x2  }
0x327: {  	p2 =	seq.s32 @!p1 s9, $0x0;
	v0 =	vbroadcast @!p1 v0, $0x0  }
0x328: {  	vm0 =	vmmov @!p1 $0x1;
	p2 =	por !p2, p1  }
0x329: {  	v1 =	vnsel @!p1 vm0, $0xFFFFFFFF, v1;
	vm0 =	vcmask @!p1 $0x308;
	v0 =	vpsel !p2, $0xFFFFFFFF, v0  }
0x32a: {  	p2 =	sne.s32 @!p1 s8, s7;
	v0 =	vsel @!p1 vm0, v1, v0  }
0x32b: {  	s0 =	simm.s32 @!p1 $0x3678;
	s1 =	simm.s32 @!p1 $0x0;
	p3 =	por !p2, p1;
	[tilespmem:$0x3878] =	vst @!p1 v0  }
0x32c: {  	[spmem:s1] =	stream.linear.scatter @!p1 [tilespmem:s0], [sflag:$0x1], $0x10, $0x38;
	[tilespmem:$0x1F0F8] =	vst v63  }
0x32d: {  	s0 =	sshll.u32 @!p3 s9, $0x6  }
0x32e: {  	s0 =	sshra.s32 @!p3 s0, $0x2  }
0x32f: {  	s1 =	simm.s32 @!p3 $0x10;
	s0 =	sadd.s32 @!p3 $0x3678, s0  }
0x330: {  	[spmem:s1] =	stream.linear.scatter @!p3 [tilespmem:s0], [sflag:$0x1], $0x10, $0x38;
	[tilespmem:$0x1F0F8] =	vst v63  }
0x331: {  	s0 =	simm.s32 @!p3 $0x1  }
0x332: {  	_ =	swait.ge @!p3 [sflag:s0], $0x20  }
0x333: {  	p1 =	por p2, p1;
	[sflag:s0] =	ssyncset.done @!p3 $0x0  }
0x334: {  	[sflag:s0] =	ssyncadd.s32 @!p3 $0xFFFFFFE0;
	s0 =	simm.s32 @!p1 $0x1  }
0x335: {  	_ =	swait.ge @!p1 [sflag:s0], $0x10  }
0x336: {  	s29 =	simm.s32 $0x3878;
	[sflag:s0] =	ssyncset.done @!p1 $0x0  }
0x337: {  	s30 =	simm.s32 $0x200;
	s31 =	simm.s32 $0x1;
	[sflag:s0] =	ssyncadd.s32 @!p1 $0xFFFFFFF0  }
0x338: {  	[spmem:s30] =	stream.linear.scatter [tilespmem:s29], [sflag:$0x1], $0x10, $0x38;
	[tilespmem:$0x1F0F8] =	vst v63  }
0x339: {  	_ =	swait.ge [sflag:s31], $0x10  }
0x33a: {  	[sflag:s31] =	ssyncset.done $0x0  }
0x33b: {  	p1 =	seq.s32 s17, $0x0;
	s8 =	rddreg [dreg:$0x1];
	[sflag:s31] =	ssyncadd.s32 $0xFFFFFFF0  }
0x33c: {  	s1 =	sshll.u32 @p1 s8, $0xE;
	s7 =	rddreg [dreg:$0x2]  }
0x33d: {  	s0 =	sadd.s32 @p1 $0x15C3C, s1;
	s1 =	sshll.u32 @p1 s7, $0x11  }
0x33e: {  	_ =	sfence.stream.spmem;
	s0 =	sor.u32 @p1 s1, s0  }
0x33f: {  	[sflag:s0] =	ssyncadd.remote.s32 @p1 $0x1;
	s0 =	simm.s32 @p1 $0x4  }
0x340: {  	s2 =	simm.s32 @!p1 $0x3C;
	s1 =	sand.u32 $0xFFFFFFFE, s8;
	_ =	swait.ge @p1 [sflag:s0], $0x6  }
0x341: {  	s4 =	simm.s32 @!p1 $0x0;
	s1 =	sadd.s32 @!p1 $0x4, s1;
	[sflag:s0] =	ssyncset.done @p1 $0x0  }
0x342: {  	s5 =	simm.s32 @!p1 $0x20;
	[sflag:s0] =	ssyncadd.s32 @p1 $0xFFFFFFFA;
	s0 =	sshll.u32 @!p1 s1, $0x1A  }
0x343: {  	s1 =	sshll.u32 @!p1 s1, $0xD;
	s0 =	sor.u32 @!p1 s0, s7;
	_ =	swait.eq @!p1 [sflag:s2], $0x1  }
0x344: {  	s1 =	sor.u32 @!p1 $0x1C04, s1;
	s2 =	simm.s32 @!p1 $0x1C03;
	s0 =	sor.u32 @!p1 $0x80004000, s0  }
0x345: {  	[spmem:s5], [sflag:s1] =	dma.general @!p1 [spmem:s4], [sflag:s2], length:$0x4, [dreg:$0x0], stride_count:$0x0, ici_dest:s0, dma_misc:DstOpCode:WRITE  }
0x346: {  	p2 =	slt.s32 s9, $0x2;
	s4 =	simm.s32 @!p1 $0x40;
	s5 =	simm.s32 @!p1 $0x42  }
0x347: {  	[spmem:s5], [sflag:s1] =	dma.general @!p1 [spmem:s4], [sflag:s2], length:$0x2, [dreg:$0x0], stride_count:$0x0, ici_dest:s0, dma_misc:DstOpCode:WRITE  }
.Ltmp28:
0x348: {  	s0 =	simm.s32 @!p1 $0x3;
	(pc) =	sbr.rel @p2 .LBB2_37-.Ltmp28, $4  }
0x349: {  	s1 =	sshll.u32 @!p1 s8, $0xE;
	_ =	swait.ge @!p1 [sflag:s0], $0x6  }
0x34a: {  	s2 =	sshll.u32 @!p1 s7, $0x11;
	s1 =	sadd.s32 @!p1 $0x11C3C, s1;
	[sflag:s0] =	ssyncset.done @!p1 $0x0  }
0x34b: {  	[sflag:s0] =	ssyncadd.s32 @!p1 $0xFFFFFFFA;
	s0 =	sor.u32 @!p1 s2, s1  }
0x34c: {  	[sflag:s0] =	ssyncadd.remote.s32 @!p1 $0xFFFFFFFF;
	s0 =	simm.s32 $0x0  }
0x34d: {  	s0 =	simm.s32 $0x3659  }
0x34e: {  	v0 =	vld.msk [tilespmem:s0+$0x0], $0x1;
	_ =	sdelay $0x4  }
0x34f: {  	(v2sf) =	vpush v0, $0x0;
	_ =	sdelay $0xd  }
0x350: {  	s2 =	sadd.s32 $0xFFFFFFFE, s6  }
0x351: {  	s2 =	sadd.s32 $0xFFFFFFFF, s2;
	s0 =	spop (v2sf)  }
0x352: {  	p2 =	sne.s32 s2, $0x0;
	p1 =	sgt.u32 s0, $0x61A7FF  }
.Ltmp29:
0x353: {  	s4 =	sand.u32 @!p1 $0x7FFFF8, s0;
	(pc) =	sbr.rel @!p2 .LBB2_36-.Ltmp29, $4  }
0x354: {  	s1 =	simm.s32 $0x3688;
	s0 =	sand.u32 @!p1 $0x7, s0;
	s4 =	sadd.s32 @!p1 s3, s4  }
0x355: {  	[hbm4b:s4+s0] =	stream.linear.scatter @!p1 [tilespmem:s1], [sflag:$0x5], $0x5, $0x38;
	[tilespmem:$0x1F0F8] =	vst v63  }
0x356: {  	s0 =	simm.s32 $0x0  }
0x357: {  	s6 =	simm.s32 $0x0;
	s7 =	simm.s32 $0x365A;
	s0 =	simm.s32 @!p1 $0x14  }
.LBB2_35:
0x358: {  	v0 =	vld.msk [tilespmem:s7+$0x0], $0x1;
	s2 =	sadd.s32 $0xFFFFFFFF, s2;
	s6 =	sadd.s32 s6, s0  }
0x359: {  	p1 =	sne.s32 s2, $0x0;
	_ =	sdelay $0x3  }
0x35a: {  	(v2sf) =	vpush v0, $0x0;
	_ =	sdelay $0xe  }
.Ltmp30:
0x35b: {  	s4 =	spop (v2sf);
	(pc) =	sbr.rel @p1 .LBB2_35-.Ltmp30, $4  }
0x35c: {  	s0 =	simm.s32 $0x0;
	p2 =	sgt.u32 s4, $0x61A7FF  }
0x35d: {  	s1 =	sadd.s32 $0x10, s1;
	s0 =	simm.s32 @!p2 $0x14;
	s5 =	sand.u32 @!p2 $0x7FFFF8, s4  }
0x35e: {  	s7 =	sadd.s32 $0x1, s7;
	s4 =	sand.u32 @!p2 $0x7, s4;
	s5 =	sadd.s32 @!p2 s3, s5  }
0x35f: {  	[hbm4b:s5+s4] =	stream.linear.scatter @!p2 [tilespmem:s1], [sflag:$0x5], $0x5, $0x38;
	[tilespmem:$0x1F0F8] =	vst v63  }
.LBB2_36:
0x360: {  	s0 =	sadd.s32 s6, s0  }
0x361: {  	s0 =	sshrl.u32 s0, $0x2  }
.LBB2_37:
0x362: {  	s1 =	simm.s32 $0x5  }
0x363: {  	_ =	swait.ge [sflag:s1], s0  }
0x364: {  	s31 =	ssub.s32 $0x0, s0;
	[sflag:s1] =	ssyncset.done $0x0  }
0x365: {  	[sflag:s1] =	ssyncadd.s32 s31  }
0x366: {  	[sflag:s1] =	ssyncpa.u1 $0x1  }
.LBB2_38:
0x367: {  	s0 =	sor.u32 s17, s16  }
0x368: {  	p1 =	sne.s32 s0, $0x0  }
.Ltmp31:
0x369: {  	_ = 	snop;
	(pc) =	sbr.rel @p1 .LBB2_53-.Ltmp31, $3  }
0x36a: {  	_ =	sdelay $0x1  }
0x36b: {  	[bflag:$0x0] =	sbarrier.arrive $0xFFFF  }
0x36c: {  	_ =	sfence  }
0x36d: {  	s0 =	simm.s32 $0x7  }
0x36e: {  	s1 =	simm.s32 $0x200;
	s2 =	simm.s32 $0x3658;
	[sflag:s0] =	ssyncpa.u1 $0x0  }
0x36f: {  	[tilespmem:s2], [sflag:$0x7] =	stream.linear.gather [spmem:s1], $0x20, $0x38;
	[tilespmem:$0x1F0F8] =	vst v63  }
0x370: {  	s30 =	simm.s32 $0x3678;
	s1 =	simm.s32 $0x0  }
0x371: {  	[tilespmem:s30], [sflag:$0x7] =	stream.linear.gather [spmem:s1], $0x200, $0x38;
	[tilespmem:$0x1F0F8] =	vst v63  }
.Ltmp32:
0x372: {  	_ = 	snop;
	(pc) =	sbr.rel .LBB2_40-.Ltmp32, $4  }
0x373: {  	_ =	swait.ge [sflag:s0], $0x220  }
0x374: {  	[sflag:s0] =	ssyncset.done $0x0  }
0x375: {  	s31 =	simm.s32 $0x8;
	[sflag:s0] =	ssyncadd.s32 $0xFFFFFDE0  }
0x376: {  	s2 =	simm.s32 $0x0;
	[sflag:s31] =	ssyncpa.u1 $0x0  }
.LBB2_45:
0x377: {  	p1 =	slt.u32 s4, $0x61A800  }
0x378: {  	s0 =	sand.u32 @p1 $0x7FFFF8, s4  }
0x379: {  	s4 =	sand.u32 @p1 $0x7, s4;
	s5 =	simm.s32 @p1 $0x3638;
	s0 =	sadd.s32 @p1 s3, s0  }
0x37a: {  	[tilespmem:s5], [sflag:$0x8] =	stream.linear.gather @p1 [hbm4b:s0+s4], $0x5, $0x38;
	[tilespmem:$0x1F0F8] =	vst v63  }
0x37b: {  	s0 =	simm.s32 @p1 $0x8  }
0x37c: {  	_ =	swait.ge @p1 [sflag:s0], $0x5  }
0x37d: {  	[sflag:s0] =	ssyncset.done @p1 $0x0  }
0x37e: {  	[sflag:s0] =	ssyncadd.s32 @p1 $0xFFFFFFFB  }
0x37f: {  	v1 =	vld @p1 [tilespmem:$0x3638];
	_ =	sdelay $0x2  }
0x380: {  	s0 =	sshll.u32 @p1 s2, $0x6  }
0x381: {  	s5 =	sshll.u32 @!p1 s2, $0x6;
	s4 =	sshrl.u32 @p1 s0, $0x2  }
0x382: {  	s5 =	smov.u32 @p1 s0;
	[tilespmem:s4+$0x3678] =	vst.add.f32.msk @p1 $0xffff, v1  }
0x383: {  	s0 =	sshrl.u32 s5, $0x2;
	[tilespmem:s1+$0x3658] =	vst.msk $0x1, v0  }
0x384: {  	v0 =	vld [tilespmem:s0+$0x3678];
	_ =	sdelay $0x2  }
0x385: {  	s31 =	sshll.u32 s1, $0x6  }
0x386: {  	s0 =	sshra.s32 s31, $0x2  }
0x387: {  	s1 =	sadd.s32 $0x1, s1;
	[tilespmem:s0+$0x3678] =	vst v0  }
.LBB2_47:
0x388: {  	s2 =	sadd.s32 $0x1, s2  }
0x389: {  	p1 =	sne.s32 s2, $0x20  }
.Ltmp33:
0x38a: {  	_ = 	snop;
	(pc) =	sbr.rel @!p1 .LBB2_48-.Ltmp33, $1  }
0x38b: {  	_ =	sdelay $0x3  }
.LBB2_40:
0x38c: {  	v0 =	vld.msk [tilespmem:s2+$0x3658], $0x1;
	_ =	sdelay $0x4  }
0x38d: {  	(v2sf) =	vpush v0, $0x0;
	_ =	sdelay $0xe  }
0x38e: {  	s4 =	spop (v2sf)  }
0x38f: {  	p1 =	seq.s32 s4, $0xFFFFFFFF  }
.Ltmp34:
0x390: {  	_ = 	snop;
	(pc) =	sbr.rel @p1 .LBB2_47-.Ltmp34, $1  }
0x391: {  	_ =	sdelay $0x3  }
0x392: {  	p1 =	slt.s32 s1, $0x1  }
.Ltmp35:
0x393: {  	_ = 	snop;
	(pc) =	sbr.rel @p1 .LBB2_45-.Ltmp35, $1  }
0x394: {  	_ =	sdelay $0x3  }
0x395: {  	s5 =	simm.s32 $0x3658;
	p1 =	por $0x0, $0x0  }
0x396: {  	v1 =	vld.msk @!p1 [tilespmem:s5+$0x0], $0x1;
	_ =	sdelay $0x4  }
0x397: {  	(v2sf) =	vpush @!p1 v1, $0x0;
	_ =	sdelay $0xd  }
0x398: {  	p3 =	sne.s32 s1, $0x1  }
.Ltmp36:
0x399: {  	s0 =	spop @!p1 (v2sf);
	(pc) =	sbr.rel @!p3 .LBB2_44-.Ltmp36, $4  }
0x39a: {  	p2 =	seq.s32 @!p1 s4, s0  }
0x39b: {  	s6 =	simm.s32 $0x0;
	p2 =	por !p2, p1  }
0x39c: {  	s0 =	simm.s32 $0xFFFFFFFF;
	s6 =	simm.s32 @p2 $0xFFFFFFFF  }
0x39d: {  	s7 =	simm.s32 $0x1;
	s6 =	smov.u32 @p1 s0  }
.LBB2_43:
0x39e: {  	s0 =	smov.u32 s6;
	p1 =	sne.s32 s6, $0xFFFFFFFF  }
0x39f: {  	s5 =	sadd.s32 $0x1, s5;
	s6 =	smov.u32 s7;
	s7 =	sadd.s32 $0x1, s7  }
0x3a0: {  	p2 =	sne.s32 s1, s7;
	v1 =	vld.msk @!p1 [tilespmem:s5+$0x0], $0x1;
	_ =	sdelay $0x4  }
0x3a1: {  	(v2sf) =	vpush @!p1 v1, $0x0;
	_ =	sdelay $0xe  }
.Ltmp37:
0x3a2: {  	s8 =	spop @!p1 (v2sf);
	(pc) =	sbr.rel @p2 .LBB2_43-.Ltmp37, $4  }
0x3a3: {  	p3 =	seq.s32 @!p1 s4, s8  }
0x3a4: {  	p3 =	por !p3, p1  }
0x3a5: {  	s6 =	simm.s32 @p3 $0xFFFFFFFF  }
0x3a6: {  	s6 =	smov.u32 @p1 s0  }
.LBB2_44:
0x3a7: {  	p1 =	sne.s32 s6, $0xFFFFFFFF  }
.Ltmp38:
0x3a8: {  	_ = 	snop;
	(pc) =	sbr.rel @!p1 .LBB2_45-.Ltmp38, $1  }
0x3a9: {  	_ =	sdelay $0x3  }
0x3aa: {  	s0 =	sshll.u32 s2, $0x4  }
0x3ab: {  	s0 =	sand.u32 $0x3FFFFFF0, s0  }
0x3ac: {  	v0 =	vld [tilespmem:s0+$0x3678]  }
.Ltmp39:
0x3ad: {  	_ = 	snop;
	(pc) =	sbr.rel .LBB2_47-.Ltmp39, $4  }
0x3ae: {  	_ = 	snop  }
0x3af: {  	s31 =	sshll.u32 s6, $0x6  }
0x3b0: {  	s0 =	sshra.s32 s31, $0x2  }
0x3b1: {  	[tilespmem:s0+$0x3678] =	vst.add.f32.msk $0xffff, v0  }
.LBB2_48:
0x3b2: {  	p1 =	slt.s32 s1, $0x1  }
.Ltmp40:
0x3b3: {  	_ = 	snop;
	(pc) =	sbr.rel @p1 .LBB2_52-.Ltmp40, $3  }
0x3b4: {  	_ =	sdelay $0x1  }
0x3b5: {  	s0 =	simm.s32 $0x8  }
0x3b6: {  	s2 =	simm.s32 $0x0;
	[sflag:s0] =	ssyncpa.u1 $0x1  }
0x3b7: {  	s0 =	simm.s32 $0x3658  }
0x3b8: {  	v0 =	vld.msk [tilespmem:s0+$0x0], $0x1;
	_ =	sdelay $0x4  }
0x3b9: {  	(v2sf) =	vpush v0, $0x0;
	_ =	sdelay $0xe  }
0x3ba: {  	s1 =	sadd.s32 $0xFFFFFFFF, s1;
	s0 =	spop (v2sf)  }
0x3bb: {  	p2 =	sne.s32 s1, $0x0;
	p1 =	sgt.u32 s0, $0x61A7FF  }
.Ltmp41:
0x3bc: {  	s5 =	sand.u32 @!p1 $0x7FFFF8, s0;
	(pc) =	sbr.rel @!p2 .LBB2_51-.Ltmp41, $4  }
0x3bd: {  	s4 =	simm.s32 $0x3678;
	s0 =	sand.u32 @!p1 $0x7, s0;
	s5 =	sadd.s32 @!p1 s3, s5  }
0x3be: {  	[hbm4b:s5+s0] =	stream.linear.scatter @!p1 [tilespmem:s4], [sflag:$0x7], $0x5, $0x38;
	[tilespmem:$0x1F0F8] =	vst v63  }
0x3bf: {  	s0 =	simm.s32 $0x0  }
0x3c0: {  	s5 =	simm.s32 $0x3659;
	s0 =	simm.s32 @!p1 $0x14  }
.LBB2_50:
0x3c1: {  	v0 =	vld.msk [tilespmem:s5+$0x0], $0x1;
	s1 =	sadd.s32 $0xFFFFFFFF, s1;
	s2 =	sadd.s32 s2, s0  }
0x3c2: {  	p1 =	sne.s32 s1, $0x0;
	_ =	sdelay $0x3  }
0x3c3: {  	(v2sf) =	vpush v0, $0x0;
	_ =	sdelay $0xe  }
.Ltmp42:
0x3c4: {  	s6 =	spop (v2sf);
	(pc) =	sbr.rel @p1 .LBB2_50-.Ltmp42, $4  }
0x3c5: {  	s0 =	simm.s32 $0x0;
	p2 =	sgt.u32 s6, $0x61A7FF  }
0x3c6: {  	s4 =	sadd.s32 $0x10, s4;
	s0 =	simm.s32 @!p2 $0x14;
	s7 =	sand.u32 @!p2 $0x7FFFF8, s6  }
0x3c7: {  	s5 =	sadd.s32 $0x1, s5;
	s6 =	sand.u32 @!p2 $0x7, s6;
	s7 =	sadd.s32 @!p2 s3, s7  }
0x3c8: {  	[hbm4b:s7+s6] =	stream.linear.scatter @!p2 [tilespmem:s4], [sflag:$0x7], $0x5, $0x38;
	[tilespmem:$0x1F0F8] =	vst v63  }
.LBB2_51:
0x3c9: {  	s0 =	sadd.s32 s2, s0  }
0x3ca: {  	s2 =	sshrl.u32 s0, $0x2  }
.LBB2_52:
0x3cb: {  	s0 =	simm.s32 $0x7  }
0x3cc: {  	_ =	swait.ge [sflag:s0], s2  }
0x3cd: {  	s1 =	ssub.s32 $0x0, s2;
	[sflag:s0] =	ssyncset.done $0x0  }
0x3ce: {  	[sflag:s0] =	ssyncadd.s32 s1  }
0x3cf: {  	[sflag:s0] =	ssyncpa.u1 $0x1  }
.LBB2_53:
0x3d0: {  	_ =	sfence;
	s0 =	simm.s32 $0x1  }
0x3d1: {  	[sflag:s0] =	ssyncpa.u1 $0x1  }
0x3d2: {  	_ =	strace $0x9000004A  }
0x3d3: {  	[bflag:$0x2] =	sbarrier.arrive $0xFFFF  }
0x3d4: {  	s0 =	rddreg [dreg:$0x3]  }
0x3d5: {  	s0 =	sadd.s32 @!p0 $0x100000, s0  }
0x3d6: {  	[sflag:s0] =	ssyncadd.tile.s32 @!p0 $0x1;
	_ =	shalt  }
.Lfunc_end2:
_tile_overlayer_lowered:
.L_overlay_start_2:
0x3d7: {  	(tag) =	ssettag $0x2  }
0x3d8: {  	s0 =	rddreg [dreg:$0x0];
	s2 =	stileid.u32  }
0x3d9: {  	s1 =	rddreg [dreg:$0x1];
	p0 =	sne.s32 s2, $0x0  }
0x3da: {  	s3 =	rddreg [dreg:$0x2];
	[bflag:$0x3] =	sbarrier.arrive $0xFFFF;
	s2 =	simm.s32 @!p0 $0x1C01  }
0x3db: {  	[timem:s3], [sflag:s2] =	dma.local @!p0 [hbm:s0], s1  }
0x3dc: {  	s0 =	simm.s32 @!p0 $0x1  }
0x3dd: {  	_ =	swait.ge @!p0 [sflag:s0], s1  }
0x3de: {  	s1 =	ssub.s32 @!p0 $0x0, s1;
	[sflag:s0] =	ssyncset.done @!p0 $0x0  }
0x3df: {  	[sflag:s0] =	ssyncadd.s32 @!p0 s1  }
0x3e0: {  	[bflag:$0x3] =	sbarrier.arrive $0xFFFF  }
0x3e1: {  	_ =	shalt  }

// kernel: sparse-core-data-format-call.cloned.1.call-start
scs
called_computation.1_lowered:
.L_overlay_start_0:
0x0: {  	s1 =	sld [smem:$0x3FD9]  }
0x1: {  	s2 =	sld [smem:$0x3FFE];
	_ =	sdelay $0x1  }
0x2: {  	s3 =	srdreg.scid  }
0x3: {  	s0 =	sand.u32 $0x1, s3  }
0x4: {  	s17 =	sshll.u32 s0, $0xA;
	s1 =	sadd.s32 s2, s1  }
0x5: {  	s1 =	sadd.s32 s1, s17  }
0x6: {  	[smem:$0x3FB7] =	sst s1  }
0x7: {  	_ = 	snop  }
0x8: {  	(tm) =	ssettm $0x1  }
0x9: {  	s18 =	sld [smem:$0x3FFB];
	_ =	sdelay $0x3  }
0xa: {  	_ =	strace s18  }
0xb: {  	s1 =	sld [smem:$0x3FFC];
	_ =	sdelay $0x3  }
0xc: {  	_ =	strace s1  }
0xd: {  	s1 =	sld [smem:$0x3FFD];
	_ =	sdelay $0x3  }
0xe: {  	_ =	strace s1  }
0xf: {  	_ =	strace $0x8FFFFFFF  }
0x10: {  	s19 =	sld [smem:$0x3FDB];
	_ =	sdelay $0x1  }
0x11: {  	s20 =	simm.s32 $_scs_section_size  }
0x12: {  	s4 =	simm.s32 $_size__tile_overlayer_lowered;
	s5 =	simm.s32 $_tile_overlayer_lowered  }
0x13: {  	s23 =	simm.s32 $0x1BFF;
	s22 =	sshll.u32 s5, $0x1;
	s1 =	sadd.s32 s20, s19  }
0x14: {  	s6 =	simm.s32 $0x0;
	s21 =	sshll.u32 s4, $0x1;
	s4 =	sadd.s32 s22, s1  }
0x15: {  	[timem:s6], [sflag:s23] =	dma.local [hbm:s4], s21  }
0x16: {  	_ =	swait.ge [sflag:s23], s21  }
0x17: {  	s2 =	ssub.s32 $0x0, s21;
	[sflag:s23] =	ssyncset.done $0x0  }
0x18: {  	[sflag:s23] =	ssyncadd.s32 s2;
	_ =	sdelay $0x1  }
0x19: {  	s24 =	simm.s32 $0x1B8B  }
0x1a: {  	_ =	swait.ge [sflag:s24], $0x1  }
0x1b: {  	[sflag:s24] =	ssyncset.done $0x0  }
0x1c: {  	s26 =	simm.s32 $0x1B8E;
	s25 =	sld [smem:$0x3FFE];
	[sflag:s24] =	ssyncadd.s32 $0xFFFFFFFF  }
0x1d: {  	s27 =	simm.s32 $execute0_lowered;
	[smem:$0x3FD2] =	sst s26  }
0x1e: {  	s4 =	sshll.u32 s27, $0x1;
	_ =	strace $0x80000046;
	[dreg:$0x1] =	wrdreg $0xFFFFFFFF  }
0x1f: {  	s28 =	simm.s32 $_size_execute0_lowered;
	s1 =	sadd.s32 s1, s4;
	[dreg:$0x0] =	wrdreg $0x0  }
0x20: {  	s4 =	sshll.u32 s28, $0x1;
	[dreg:$0x2] =	wrdreg s1  }
0x21: {  	[dreg:$0x3] =	wrdreg s4  }
0x22: {  	[dreg:$0x4] =	wrdreg $0xC0  }
0x23: {  	_ =	task [dreg:s6], $0x5FFFF  }
0x24: {  	[dreg:$0x1] =	wrdreg $0xFFFFFFFF  }
0x25: {  	[dreg:$0x0] =	wrdreg $0x60  }
0x26: {  	[dreg:$0x2] =	wrdreg s25  }
0x27: {  	[dreg:$0x3] =	wrdreg $0x9  }
0x28: {  	_ =	task.clear_ibuf [dreg:s6], $0x4FFFF;
	_ =	strace $0x90000046  }
0x29: {  	s29 =	simm.s32 $0x9;
	_ =	strace $0x80000048  }
0x2a: {  	_ =	swait.ge [sflag:s29], $0x1  }
0x2b: {  	[sflag:s29] =	ssyncadd.s32 $0xFFFFFFFF  }
0x2c: {  	_ =	strace $0x90000048  }
0x2d: {  	_ =	sfence  }
0x2e: {  	s30 =	sld [smem:$0x0];
	_ =	sdelay $0x2  }
0x2f: {  	s31 =	sshll.u32 s3, $0xD;
	s3 =	sshrl.u32 s3, $0x2  }
0x30: {  	s2 =	sand.u32 $0x4000, s31;
	s1 =	sadd.s32 s3, s30  }
0x31: {  	s0 =	sor.u32 s2, s0;
	s1 =	sshll.u32 s1, $0x11  }
0x32: {  	s0 =	sor.u32 s1, s0  }
0x33: {  	s0 =	sadd.s32 $0x8F2B, s0  }
0x34: {  	[sflag:s0] =	ssyncadd.remote.s32 $0x1  }
0x35: {  	_ =	sfence.sel $0xFFFF  }
0x36: {  	[dreg:$0x0] =	wrdreg $0xFFFFFFFF;
	(pc) =	sbr.abs _section_cstart, $3  }
0x37: {  	[dreg:$0x1] =	wrdreg $0xFFFFFFFF  }
0x38: {  	_ =	task.clear_ibuf [dreg:s6], $0x2FFFF;
	_ =	strace $0x9FFFFFFF  }
0x39: {  	(tm) =	ssettm $0x7FFFFFFF  }
tec
execute0_lowered:
.L_overlay_start_1:
0x0: {  	(tag) =	ssettag $0x1  }
0x1: {  	s0 =	srdreg.scid  }
0x2: {  	s2 =	stileid.u32;
	s0 =	sshll.u32 s0, $0x4  }
0x3: {  	s1 =	rddreg [dreg:$0x0];
	_ =	strace $0x80000047;
	s0 =	sand.u32 $0x10, s0  }
0x4: {  	s31 =	simm.s32 $0x1;
	s5 =	simm.s32 $0x2;
	s0 =	sor.u32 s2, s0  }
0x5: {  	s13 =	simm.s32 $0x0;
	s7 =	sadd.s32 $0x1EA800, s1;
	s6 =	sshll.u32 s0, $0xA  }
0x6: {  	s10 =	simm.s32 $0x0;
	s1 =	sadd.s32 $0x4F7C00, s1;
	s0 =	ssub.s32 $0x30D400, s6  }
0x7: {  	s11 =	simm.s32 $0x0;
	[dreg:$0x4] =	wrdreg s1;
	s4 =	sand.u32 $0x7C00, s0  }
.Ltmp0:
0x8: {  	p0 =	sne.s32 s4, $0x0;
	s4 =	simm.s32 $0x1;
	(pc) =	sbr.rel .LBB1_1-.Ltmp0, $4  }
0x9: {  	[dreg:$0x3] =	wrdreg s7;
	s0 =	sshrl.u32 s0, $0xF;
	s4 =	simm.s32 @!p0 $0x0  }
0xa: {  	[sflag:s31] =	ssyncpa.u1 $0x0;
	[dreg:$0x2] =	wrdreg s6;
	s8 =	sadd.s32 s4, s0  }
0xb: {  	[sflag:s5] =	ssyncpa.u1 $0x0;
	s9 =	sadd.s32 $0x1, s8;
	[dreg:$0x5] =	wrdreg s8  }
0xc: {  	s2 =	simm.s32 $0x0;
	s12 =	smov.u32 s6;
	[dreg:$0x6] =	wrdreg s9  }
.LBB1_7:
0xd: {  	s0 =	sadd.s32 $0x8000, s12  }
0xe: {  	s2 =	sadd.s32 $0x8, s10;
	s3 =	smov.u32 s10;
	p1 =	sgt.s32 s0, $0x30D3FF  }
0xf: {  	s3 =	smov.u32 @p1 s2  }
0x10: {  	s0 =	smov.u32 @p1 s6;
	p1 =	sgt.s32 s3, $0x4  }
0x11: {  	s3 =	simm.s32 @p1 $0x0;
	p1 =	sne.s32 s11, s9  }
.Ltmp1:
0x12: {  	p0 =	slt.u32 s11, $0x2;
	(pc) =	sbr.rel @!p1 .LBB1_8-.Ltmp1, $4  }
0x13: {  	s1 =	simm.s32 @!p0 $0x2  }
0x14: {  	s13 =	smov.u32 s12;
	_ =	swait.ge @!p0 [sflag:s1], $0x2000  }
0x15: {  	s2 =	smov.u32 s10;
	[sflag:s1] =	ssyncset.done @!p0 $0x0;
	s12 =	smov.u32 s0  }
0x16: {  	s11 =	sadd.s32 $0x1, s11;
	[sflag:s1] =	ssyncadd.s32 @!p0 $0xFFFFE000;
	s10 =	smov.u32 s3  }
.LBB1_1:
0x17: {  	p0 =	sge.u32 s11, s8  }
0x18: {  	s0 =	sshrl.u32 @!p0 s10, $0x3  }
0x19: {  	s1 =	sshll.u32 @!p0 s12, $0x3;
	s0 =	smul.u32 @!p0 $0x186A000, s0  }
0x1a: {  	s1 =	sand.u32 @!p0 $0xFFFFFC00, s1  }
0x1b: {  	s0 =	sadd.s32 @!p0 s0, s1  }
0x1c: {  	s1 =	sshrl.u32 @!p0 s0, $0xA  }
0x1d: {  	s1 =	smulhi.u32 @!p0 $0x53E2D7, s1  }
0x1e: {  	s4 =	sshll.u32 @!p0 s10, $0x7  }
0x1f: {  	s5 =	sand.u32 @!p0 $0x7F, s12;
	s4 =	sand.u32 @!p0 $0x380, s4;
	s1 =	sshrl.u32 @!p0 s1, $0x2  }
0x20: {  	s4 =	sor.u32 @!p0 s5, s4;
	s5 =	smul.u32 @!p0 $0x30D400, s1  }
0x21: {  	s0 =	sor.u32 @!p0 s0, s4  }
0x22: {  	s1 =	sand.u32 @!p0 $0x7, s1;
	s0 =	ssub.s32 @!p0 s0, s5  }
0x23: {  	s4 =	sxor.u32 @!p0 $0xFFFFFFFF, s11;
	s1 =	smul.u32 @!p0 $0x61A80, s1;
	s5 =	sshrl.u32 @!p0 s0, $0x3  }
0x24: {  	s31 =	sadd.s32 $0xFFFFFFFF, s11;
	s4 =	sshll.u32 @!p0 s4, $0xD;
	s5 =	sadd.s32 @!p0 s7, s5  }
0x25: {  	s4 =	sand.u32 @!p0 $0x2000, s4;
	s0 =	sand.u32 @!p0 $0x7, s0;
	s1 =	sadd.s32 @!p0 s1, s5  }
0x26: {  	[tilespmem:s4], [sflag:$0x1] =	stream.linear.gather @!p0 [hbm4b:s1+s0], $0x2000, $0x38;
	[tilespmem:$0x8800] =	vst v63  }
0x27: {  	p0 =	sge.u32 s31, s8  }
.Ltmp2:
0x28: {  	_ = 	snop;
	(pc) =	sbr.rel @p0 .LBB1_7-.Ltmp2, $1  }
0x29: {  	_ =	sdelay $0x3  }
0x2a: {  	[dreg:$0x9] =	wrdreg s13  }
0x2b: {  	[dreg:$0x8] =	wrdreg s2;
	s0 =	sand.u32 $0x1, s11  }
0x2c: {  	[dreg:$0x7] =	wrdreg s12;
	s31 =	simm.s32 $0x1;
	s1 =	smul.u32 $0x9000, s0  }
0x2d: {  	_ =	swait.ge [sflag:s31], $0x2000  }
0x2e: {  	s16 =	simm.s32 $0x0;
	[sflag:s31] =	ssyncset.done $0x0;
	s1 =	sshrl.u32 s1, $0x2  }
0x2f: {  	s15 =	sshll.u32 s0, $0xD;
	[sflag:s31] =	ssyncadd.s32 $0xFFFFE000;
	s14 =	sor.u32 $0x4000, s1  }
.LBB1_3:
0x30: {  	s0 =	sshll.u32 s16, $0x9  }
0x31: {  	s0 =	sshra.s32 s0, $0x2  }
0x32: {  	s0 =	sadd.s32 s0, s15  }
0x33: {  	s17 =	sadd.s32 s16, s14;
	p0 =	por $0x1, $0x1;
	s18 =	simm.s32 $0x0;
	v0 =	vmov s0  }
.LBB1_4:
0x34: {  	s0 =	smul.u32 $0x24, s18;
	s1 =	sshll.u32 s18, $0x3;
	s4 =	sor.u32 $0x80, s18  }
0x35: {  	s9 =	sor.u32 $0x90, s18;
	s22 =	sor.u32 $0xA0, s18;
	s25 =	sor.u32 $0xB0, s18  }
0x36: {  	s2 =	sor.u32 $0xC0, s18;
	s3 =	sor.u32 $0xD0, s18;
	s7 =	smul.u32 $0x24, s4  }
0x37: {  	p1 =	por p0, p0;
	s29 =	sand.u32 $0x3FFFFFF8, s1;
	s13 =	smul.u32 $0x24, s9  }
0x38: {  	s8 =	sshll.u32 s4, $0x3;
	s21 =	sshll.u32 s9, $0x3;
	s5 =	smul.u32 $0x24, s22  }
0x39: {  	s24 =	sshll.u32 s22, $0x3;
	s27 =	smul.u32 $0x24, s25;
	s28 =	sshll.u32 s25, $0x3  }
0x3a: {  	s4 =	sshll.u32 s2, $0x3;
	s25 =	smul.u32 $0x24, s3;
	s0 =	sshra.s32 s0, $0x2  }
0x3b: {  	s30 =	sand.u32 $0x3FFFFFF8, s8;
	s31 =	sand.u32 $0x1400, s21;
	s1 =	sand.u32 $0x1400, s24  }
0x3c: {  	s24 =	smul.u32 $0x24, s2;
	s8 =	sand.u32 $0x1400, s4;
	s0 =	sadd.s32 s0, s14  }
0x3d: {  	s12 =	sshra.s32 s7, $0x2;
	s23 =	sshra.s32 s13, $0x2;
	s26 =	sshra.s32 s5, $0x2  }
0x3e: {  	s5 =	sshra.s32 s27, $0x2;
	s7 =	sshll.u32 s3, $0x3;
	s9 =	sshra.s32 s25, $0x2  }
0x3f: {  	s3 =	sor.u32 $0x100, s18;
	v55 =	vld.idx.msk [tilespmem:v0+s31+$0x10 ss:$0x1], $0xffff;
	s31 =	sor.u32 $0x140, s18;
	s19 =	sadd.s32 s16, s0  }
0x40: {  	s20 =	sadd.s32 s12, s17;
	s21 =	sadd.s32 s23, s17;
	s22 =	sadd.s32 s26, s17  }
0x41: {  	s0 =	sand.u32 $0x1400, s28;
	s23 =	sadd.s32 s5, s17;
	s6 =	sshra.s32 s24, $0x2  }
0x42: {  	v1 =	vld.idx.msk [tilespmem:v0+s29+$0x0 ss:$0x1], $0xffff;
	s26 =	sor.u32 $0xE0, s18;
	s5 =	sand.u32 $0x1400, s7;
	s25 =	sadd.s32 s9, s17  }
0x43: {  	v2 =	vld.idx.msk [tilespmem:v0+s29+$0x10 ss:$0x1], $0xffff;
	s28 =	sor.u32 $0xF0, s18;
	s24 =	sadd.s32 s6, s17;
	s27 =	smul.u32 $0x24, s26  }
0x44: {  	v3 =	vld.idx.msk [tilespmem:v0+s29+$0x20 ss:$0x1], $0xffff;
	s12 =	sshll.u32 s26, $0x3;
	s2 =	smul.u32 $0x24, s28;
	s28 =	sshll.u32 s28, $0x3  }
0x45: {  	s6 =	smul.u32 $0x24, s3;
	s3 =	sshll.u32 s3, $0x3;
	s4 =	sand.u32 $0x1400, s12  }
0x46: {  	v4 =	vld.idx.msk [tilespmem:v0+s29+$0x30 ss:$0x1], $0xffff;
	s7 =	sand.u32 $0x1400, s28;
	s3 =	sand.u32 $0x3FFFFFF8, s3;
	s13 =	sshra.s32 s27, $0x2  }
0x47: {  	v5 =	vld.idx.msk [tilespmem:v0+s29+$0x40 ss:$0x1], $0xffff;
	s27 =	sshra.s32 s2, $0x2;
	s2 =	sor.u32 $0x110, s18;
	s28 =	sshra.s32 s6, $0x2;
	[tilespmem:s19+$0x0 ss:$0x9] =	vst.msk $0xffff, v1  }
0x48: {  	v1 =	vld.idx.msk [tilespmem:v0+s29+$0x50 ss:$0x1], $0xffff;
	[tilespmem:s19+$0x90 ss:$0x9] =	vst.msk $0xffff, v2;
	s26 =	sadd.s32 s13, s17;
	s27 =	sadd.s32 s27, s17;
	s6 =	smul.u32 $0x24, s2  }
0x49: {  	v2 =	vld.idx.msk [tilespmem:v0+s29+$0x60 ss:$0x1], $0xffff;
	[tilespmem:s19+$0x120 ss:$0x9] =	vst.msk $0xffff, v3;
	s28 =	sadd.s32 s28, s17;
	s2 =	sshll.u32 s2, $0x3;
	s13 =	sor.u32 $0x120, s18  }
0x4a: {  	v3 =	vld.idx.msk [tilespmem:v0+s29+$0x70 ss:$0x1], $0xffff;
	[tilespmem:s21+$0x0 ss:$0x9] =	vst.msk $0xffff, v55;
	s21 =	sor.u32 $0x170, s18;
	s2 =	sand.u32 $0x1800, s2;
	s12 =	smul.u32 $0x24, s13  }
0x4b: {  	v54 =	vld.idx.msk [tilespmem:v0+s30+$0x0 ss:$0x1], $0xffff;
	[tilespmem:s19+$0x1B0 ss:$0x9] =	vst.msk $0xffff, v4;
	s9 =	sshll.u32 s13, $0x3;
	s13 =	sor.u32 $0x130, s18;
	s6 =	sshra.s32 s6, $0x2  }
0x4c: {  	[tilespmem:s19+$0x240 ss:$0x9] =	vst.msk $0xffff, v5;
	s29 =	sadd.s32 s6, s17;
	s6 =	sand.u32 $0x1800, s9;
	s12 =	sshra.s32 s12, $0x2  }
0x4d: {  	s9 =	smul.u32 $0x24, s13;
	s13 =	sshll.u32 s13, $0x3;
	s30 =	sadd.s32 s12, s17;
	[tilespmem:s19+$0x2D0 ss:$0x9] =	vst.msk $0xffff, v1;
	v1 =	vld.idx.msk [tilespmem:v0+s1+$0x20 ss:$0x1], $0xffff  }
0x4e: {  	s1 =	sand.u32 $0x1800, s13;
	s12 =	smul.u32 $0x24, s31;
	[tilespmem:s19+$0x360 ss:$0x9] =	vst.msk $0xffff, v2;
	v2 =	vld.idx.msk [tilespmem:v0+s0+$0x30 ss:$0x1], $0xffff;
	s13 =	sshll.u32 s31, $0x3  }
0x4f: {  	s31 =	sor.u32 $0x150, s18;
	[tilespmem:s19+$0x3F0 ss:$0x9] =	vst.msk $0xffff, v3;
	v3 =	vld.idx.msk [tilespmem:v0+s8+$0x40 ss:$0x1], $0xffff;
	s9 =	sshra.s32 s9, $0x2;
	s8 =	sand.u32 $0x1800, s13  }
0x50: {  	v56 =	vld.idx.msk [tilespmem:v0+s5+$0x50 ss:$0x1], $0xffff;
	[tilespmem:s20+$0x0 ss:$0x9] =	vst.msk $0xffff, v54;
	s19 =	smul.u32 $0x24, s31;
	s20 =	sshll.u32 s31, $0x3;
	s31 =	sor.u32 $0x160, s18  }
0x51: {  	v57 =	vld.idx.msk [tilespmem:v0+s4+$0x60 ss:$0x1], $0xffff;
	s0 =	sadd.s32 s9, s17;
	s12 =	sshra.s32 s12, $0x2;
	s4 =	sand.u32 $0x1800, s20  }
0x52: {  	s5 =	sadd.s32 s12, s17;
	s12 =	sshra.s32 s19, $0x2;
	s19 =	smul.u32 $0x24, s31  }
0x53: {  	s20 =	sshll.u32 s31, $0x3;
	s31 =	sor.u32 $0x180, s18;
	[tilespmem:s22+$0x0 ss:$0x9] =	vst.msk $0xffff, v1;
	v1 =	vld.idx.msk [tilespmem:v0+s7+$0x70 ss:$0x1], $0xffff;
	s7 =	sadd.s32 s12, s17  }
0x54: {  	[tilespmem:s23+$0x0 ss:$0x9] =	vst.msk $0xffff, v2;
	v2 =	vld.idx.msk [tilespmem:v0+s3+$0x0 ss:$0x1], $0xffff;
	s3 =	sand.u32 $0x1800, s20;
	s22 =	sshra.s32 s19, $0x2;
	s23 =	smul.u32 $0x24, s21  }
0x55: {  	[tilespmem:s24+$0x0 ss:$0x9] =	vst.msk $0xffff, v3;
	v3 =	vld.idx.msk [tilespmem:v0+s2+$0x10 ss:$0x1], $0xffff;
	s24 =	sshll.u32 s21, $0x3;
	s20 =	smul.u32 $0x24, s31;
	s21 =	sshll.u32 s31, $0x3  }
0x56: {  	[tilespmem:s25+$0x0 ss:$0x9] =	vst.msk $0xffff, v56;
	v58 =	vld.idx.msk [tilespmem:v0+s6+$0x20 ss:$0x1], $0xffff;
	s2 =	sadd.s32 s22, s17;
	s6 =	sand.u32 $0x1800, s24;
	s22 =	sor.u32 $0x190, s18  }
0x57: {  	[tilespmem:s26+$0x0 ss:$0x9] =	vst.msk $0xffff, v57;
	v59 =	vld.idx.msk [tilespmem:v0+s1+$0x30 ss:$0x1], $0xffff;
	s19 =	sshra.s32 s23, $0x2;
	s23 =	sand.u32 $0x3FFFFFF8, s21;
	s24 =	sshra.s32 s20, $0x2  }
0x58: {  	s25 =	smul.u32 $0x24, s22;
	s1 =	sadd.s32 s19, s17;
	s19 =	sor.u32 $0x1B0, s18;
	[tilespmem:s27+$0x0 ss:$0x9] =	vst.msk $0xffff, v1;
	v1 =	vld.idx.msk [tilespmem:v0+s8+$0x40 ss:$0x1], $0xffff  }
0x59: {  	s26 =	sshll.u32 s22, $0x3;
	s22 =	sshll.u32 s19, $0x3;
	[tilespmem:s28+$0x0 ss:$0x9] =	vst.msk $0xffff, v2;
	v2 =	vld.idx.msk [tilespmem:v0+s4+$0x50 ss:$0x1], $0xffff;
	s4 =	sadd.s32 s24, s17  }
0x5a: {  	s27 =	sor.u32 $0x1A0, s18;
	[tilespmem:s29+$0x0 ss:$0x9] =	vst.msk $0xffff, v3;
	v3 =	vld.idx.msk [tilespmem:v0+s3+$0x60 ss:$0x1], $0xffff;
	s28 =	sand.u32 $0x1C00, s26;
	s29 =	sshra.s32 s25, $0x2  }
0x5b: {  	[tilespmem:s30+$0x0 ss:$0x9] =	vst.msk $0xffff, v58;
	v60 =	vld.idx.msk [tilespmem:v0+s6+$0x70 ss:$0x1], $0xffff;
	s24 =	sand.u32 $0x1C00, s22;
	s25 =	sor.u32 $0x1C0, s18;
	s26 =	smul.u32 $0x24, s19  }
0x5c: {  	[tilespmem:s0+$0x0 ss:$0x9] =	vst.msk $0xffff, v59;
	v61 =	vld.idx.msk [tilespmem:v0+s23+$0x0 ss:$0x1], $0xffff;
	s31 =	smul.u32 $0x24, s27;
	s6 =	sadd.s32 s29, s17;
	s13 =	sshll.u32 s27, $0x3  }
0x5d: {  	s27 =	sshll.u32 s25, $0x3;
	s19 =	smul.u32 $0x24, s25;
	s20 =	sand.u32 $0x1C00, s13;
	[tilespmem:s5+$0x0 ss:$0x9] =	vst.msk $0xffff, v1;
	v1 =	vld.idx.msk [tilespmem:v0+s28+$0x10 ss:$0x1], $0xffff  }
0x5e: {  	s29 =	sand.u32 $0x1C00, s27;
	s21 =	sshra.s32 s31, $0x2;
	[tilespmem:s7+$0x0 ss:$0x9] =	vst.msk $0xffff, v2;
	v2 =	vld.idx.msk [tilespmem:v0+s20+$0x20 ss:$0x1], $0xffff;
	s28 =	sor.u32 $0x1D0, s18  }
0x5f: {  	s31 =	sor.u32 $0x1E0, s18;
	s23 =	sadd.s32 s21, s17;
	[tilespmem:s2+$0x0 ss:$0x9] =	vst.msk $0xffff, v3;
	v3 =	vld.idx.msk [tilespmem:v0+s24+$0x30 ss:$0x1], $0xffff;
	s30 =	sshll.u32 s28, $0x3  }
0x60: {  	[tilespmem:s1+$0x0 ss:$0x9] =	vst.msk $0xffff, v60;
	v62 =	vld.idx.msk [tilespmem:v0+s29+$0x40 ss:$0x1], $0xffff;
	s13 =	sshll.u32 s31, $0x3;
	s18 =	sor.u32 $0x1F0, s18;
	s12 =	sand.u32 $0x1C00, s30  }
0x61: {  	[tilespmem:s4+$0x0 ss:$0x9] =	vst.msk $0xffff, v61;
	s20 =	sand.u32 $0x1C00, s13;
	s24 =	smul.u32 $0x24, s31;
	s21 =	sshll.u32 s18, $0x3;
	v63 =	vld.idx.msk [tilespmem:v0+s12+$0x50 ss:$0x1], $0xffff  }
0x62: {  	s0 =	sshra.s32 s26, $0x2;
	s22 =	smul.u32 $0x24, s28;
	s2 =	sand.u32 $0x1C00, s21;
	[tilespmem:s6+$0x0 ss:$0x9] =	vst.msk $0xffff, v1;
	v1 =	vld.idx.msk [tilespmem:v0+s20+$0x60 ss:$0x1], $0xffff  }
0x63: {  	s0 =	sadd.s32 s0, s17;
	s26 =	smul.u32 $0x24, s18;
	[tilespmem:s23+$0x0 ss:$0x9] =	vst.msk $0xffff, v2;
	v2 =	vld.idx.msk [tilespmem:v0+s2+$0x70 ss:$0x1], $0xffff;
	s23 =	sshra.s32 s19, $0x2  }
.Ltmp3:
0x64: {  	s1 =	sshra.s32 s22, $0x2;
	[tilespmem:s0+$0x0 ss:$0x9] =	vst.msk $0xffff, v3;
	s25 =	sadd.s32 s23, s17;
	(pc) =	sbr.rel @p1 .LBB1_4-.Ltmp3, $4  }
0x65: {  	s28 =	sshra.s32 s24, $0x2;
	s27 =	sadd.s32 s1, s17;
	[tilespmem:s25+$0x0 ss:$0x9] =	vst.msk $0xffff, v62  }
0x66: {  	s29 =	sadd.s32 s28, s17;
	s30 =	sshra.s32 s26, $0x2;
	[tilespmem:s27+$0x0 ss:$0x9] =	vst.msk $0xffff, v63  }
0x67: {  	s31 =	sadd.s32 s30, s17;
	[tilespmem:s29+$0x0 ss:$0x9] =	vst.msk $0xffff, v1  }
0x68: {  	p0 =	por $0x0, $0x0;
	s18 =	simm.s32 $0x200;
	[tilespmem:s31+$0x0 ss:$0x9] =	vst.msk $0xffff, v2  }
0x69: {  	s16 =	sadd.s32 $0x1, s16  }
0x6a: {  	p0 =	sne.s32 s16, $0x8  }
.Ltmp4:
0x6b: {  	_ = 	snop;
	(pc) =	sbr.rel @p0 .LBB1_3-.Ltmp4, $1  }
0x6c: {  	_ =	sdelay $0x3  }
0x6d: {  	s0 =	rddreg [dreg:$0x9]  }
0x6e: {  	s3 =	rddreg [dreg:$0x8]  }
0x6f: {  	s0 =	sshll.u32 s0, $0x7;
	s1 =	sshll.u32 s3, $0x3  }
0x70: {  	s2 =	sand.u32 $0xFFFFFC00, s0;
	s1 =	sand.u32 $0xFFFFFC00, s1  }
0x71: {  	s0 =	sand.u32 $0x380, s0;
	s1 =	sadd.s32 s1, s2  }
0x72: {  	s0 =	sor.u32 s0, s1  }
0x73: {  	s0 =	sshrl.u32 s0, $0x7  }
0x74: {  	s29 =	rddreg [dreg:$0x4];
	s25 =	smulhi.u32 $0x14F8B59, s0  }
0x75: {  	s6 =	rddreg [dreg:$0x2]  }
0x76: {  	s7 =	rddreg [dreg:$0x3];
	s1 =	sshrl.u32 s25, $0xE  }
0x77: {  	s31 =	simm.s32 $0x80;
	s8 =	rddreg [dreg:$0x5];
	s1 =	smul.u32 $0x30D400, s1  }
.Ltmp5:
0x78: {  	s9 =	rddreg [dreg:$0x6];
	s26 =	sshrl.u32 s3, $0x3;
	(pc) =	sbr.rel .LBB1_7-.Ltmp5, $4  }
0x79: {  	s28 =	sand.u32 $0x7, s3;
	s27 =	sand.u32 $0xF, s26;
	s0 =	ssub.s32 s0, s1  }
0x7a: {  	s2 =	sshll.u32 s28, $0x12;
	s1 =	sadd.s32 s29, s27;
	s0 =	sshll.u32 s0, $0x4  }
0x7b: {  	s12 =	rddreg [dreg:$0x7];
	s30 =	sor.u32 $0x8, s2;
	s0 =	sadd.s32 s0, s1  }
0x7c: {  	[hbm4b:s0+s30] =	stream.strided.scatter [tilespmem:s14], [sflag:$0x2], $0x2000, s31, s30, $0x0;
	[tilespmem:$0x8800] =	vst v63  }
.LBB1_8:
0x7d: {  	_ =	sfence.sel $0x180000  }
0x7e: {  	s0 =	simm.s32 $0x1;
	[bflag:$0x0] =	sbarrier.arrive $0xFFFF  }
0x7f: {  	s30 =	simm.s32 $0x2;
	[sflag:s0] =	ssyncpa.u1 $0x1  }
0x80: {  	[sflag:s30] =	ssyncpa.u1 $0x1  }
0x81: {  	_ =	strace $0x90000047  }
0x82: {  	s31 =	stileid.u32;
	[bflag:$0x2] =	sbarrier.arrive $0xFFFF  }
0x83: {  	p0 =	sne.s32 s31, $0x0;
	s0 =	rddreg [dreg:$0x1]  }
0x84: {  	s0 =	sadd.s32 @!p0 $0x100000, s0  }
0x85: {  	[sflag:s0] =	ssyncadd.tile.s32 @!p0 $0x1;
	_ =	shalt  }
.Lfunc_end1:
_tile_overlayer_lowered:
.L_overlay_start_2:
0x86: {  	(tag) =	ssettag $0x2  }
0x87: {  	s0 =	rddreg [dreg:$0x0];
	s2 =	stileid.u32  }
0x88: {  	s1 =	rddreg [dreg:$0x1];
	p0 =	sne.s32 s2, $0x0  }
0x89: {  	s3 =	rddreg [dreg:$0x2];
	[bflag:$0x3] =	sbarrier.arrive $0xFFFF;
	s2 =	simm.s32 @!p0 $0x1C01  }
0x8a: {  	[timem:s3], [sflag:s2] =	dma.local @!p0 [hbm:s0], s1  }
0x8b: {  	s0 =	simm.s32 @!p0 $0x1  }
0x8c: {  	_ =	swait.ge @!p0 [sflag:s0], s1  }
0x8d: {  	s1 =	ssub.s32 @!p0 $0x0, s1;
	[sflag:s0] =	ssyncset.done @!p0 $0x0  }
0x8e: {  	[sflag:s0] =	ssyncadd.s32 @!p0 s1  }
0x8f: {  	[bflag:$0x3] =	sbarrier.arrive $0xFFFF  }
0x90: {  	_ =	shalt  }

</sc_bundles>
